<compile_context>
chip_gen: v7x
topology: tpu7x:2x2x1
jax: 0.10.2.dev20260603
libtpu: 0.0.44.dev20260713+nightly
codegen_flags: <defaults>
</compile_context>

<pallas_src>
import functools

import jax
import jax.numpy as jnp
from jax import lax
from jax.experimental import pallas as pl
from jax.experimental.pallas import tpu as pltpu
from jax.experimental.pallas import tpu_sc as plsc

N = 10000
F = 128
E = 320000
NC = 2
NS = 16
NW = NC * NS
E_PW = E // NW
CH = 128
SUPE = 5000
NSUP = 2
SUB = SUPE // CH
TAIL = SUPE - SUB * CH
NBUF = 2
ROWS_PT = 640
N_PAD = NS * ROWS_PT


_MESH = plsc.VectorSubcoreMesh(core_axis_name="c", subcore_axis_name="s")


@functools.partial(
    pl.kernel,
    out_type=jax.ShapeDtypeStruct((NC, N_PAD, F), jnp.float32),
    mesh=_MESH,
    scratch_types=[
        pltpu.VMEM((SUPE,), jnp.int32),
        pltpu.VMEM((SUPE,), jnp.int32),
        pltpu.VMEM((CH, F), jnp.float32),
        pltpu.VMEM((CH, F), jnp.float32),
        pltpu.VMEM_SHARED((N_PAD, F), jnp.float32),
        pltpu.SemaphoreType.DMA,
        pltpu.SemaphoreType.DMA,
        pltpu.SemaphoreType.DMA,
    ],
)
def _scatter_gather(edges_hbm, h_hbm, zeros_hbm, out_hbm,
                    src_win, dst_win, rows0, rows1, accum,
                    gsem0, gsem1, zsem):
    c = lax.axis_index("c")
    s = lax.axis_index("s")
    wid = c * NS + s
    base = s * ROWS_PT
    bufs = (rows0, rows1)
    gsems = (gsem0, gsem1)

    def wait_gather(b):
        pltpu.make_async_copy(h_hbm.at[src_win.at[pl.ds(0, CH)]],
                              bufs[b], gsems[b]).wait()

    zcp = pltpu.async_copy(zeros_hbm, accum.at[pl.ds(base, ROWS_PT)], zsem)
    off0 = wid * E_PW
    pltpu.sync_copy(edges_hbm.at[pl.ds(off0, SUPE)], src_win)
    pltpu.sync_copy(edges_hbm.at[pl.ds(E + off0, SUPE)], dst_win)
    zcp.wait()
    plsc.subcore_barrier()

    for sup in range(NSUP):
        if sup > 0:
            off = wid * E_PW + sup * SUPE
            pltpu.sync_copy(edges_hbm.at[pl.ds(off, SUPE)], src_win)
            pltpu.sync_copy(edges_hbm.at[pl.ds(E + off, SUPE)], dst_win)

        for b in range(NBUF):
            pltpu.async_copy(h_hbm.at[src_win.at[pl.ds(b * CH, CH)]],
                             bufs[b], gsems[b])

        def chunk_step(it, carry):
            g = it * NBUF
            for b in range(NBUF):
                j = g + b
                wait_gather(b)
                pltpu.sync_copy(
                    bufs[b],
                    accum.at[dst_win.at[pl.ds(j * CH, CH)]],
                    add=True)
                pltpu.async_copy(
                    h_hbm.at[src_win.at[pl.ds((j + NBUF) * CH, CH)]],
                    bufs[b], gsems[b])
            return carry

        lax.fori_loop(0, (SUB - NBUF) // NBUF, chunk_step, 0)

        for j in range(((SUB - NBUF) // NBUF) * NBUF, SUB):
            b = j % NBUF
            wait_gather(b)
            pltpu.sync_copy(bufs[b],
                            accum.at[dst_win.at[pl.ds(j * CH, CH)]],
                            add=True)
            if j + NBUF < SUB:
                pltpu.async_copy(
                    h_hbm.at[src_win.at[pl.ds((j + NBUF) * CH, CH)]],
                    bufs[b], gsems[b])

        tcp = pltpu.async_copy(
            h_hbm.at[src_win.at[pl.ds(SUB * CH, TAIL)]],
            rows0.at[pl.ds(0, TAIL)], gsem0)
        tcp.wait()
        pltpu.sync_copy(rows0.at[pl.ds(0, TAIL)],
                        accum.at[dst_win.at[pl.ds(SUB * CH, TAIL)]],
                        add=True)

    plsc.subcore_barrier()

    pltpu.sync_copy(accum.at[pl.ds(base, ROWS_PT)],
                    out_hbm.at[c, pl.ds(base, ROWS_PT)])


def _fin_body(p_ref, w_ref, b_ref, o_ref):
    agg = p_ref[0] + p_ref[1]
    o_ref[...] = jnp.maximum(
        jnp.dot(agg, w_ref[...], preferred_element_type=jnp.float32)
        + b_ref[...], 0.0)


def _finalize(partials, W, b):
    return pl.pallas_call(
        _fin_body,
        grid=(5,),
        in_specs=[
            pl.BlockSpec((NC, N // 5, F), lambda i: (0, i, 0)),
            pl.BlockSpec((F, F), lambda i: (0, 0)),
            pl.BlockSpec((1, F), lambda i: (0, 0)),
        ],
        out_specs=pl.BlockSpec((N // 5, F), lambda i: (i, 0)),
        out_shape=jax.ShapeDtypeStruct((N, F), jnp.float32),
    )(partials, W, b.reshape(1, F))


def kernel(h, edge_index, W, b):
    edges = edge_index.astype(jnp.int32).reshape(-1)
    zeros = jnp.zeros((ROWS_PT, F), jnp.float32)

    partials = _scatter_gather(edges, h, zeros)
    return _finalize(partials, W, b)

# --- scband reference (transcript-rebuilt; emitter-appended) ---
"""Pipeline reference for scband-gcnlayer-46162308498220 (READ-ONLY COPY).

The authoritative reference and input builder live on the scoring server;
editing this copy changes nothing except your own understanding.
"""

import jax, jax.numpy as jnp
import numpy as np

N_NODES = 10000
N_EDGES = 320000
IN_FEATS = 128
OUT_FEATS = 128


def setup_inputs(seed: int = 0) -> dict:
    key = jax.random.key(seed)
    k1, k2, k3 = jax.random.split(key, 3)
    h = jax.random.normal(k1, (N_NODES, IN_FEATS), dtype=jnp.float32)
    edge_index = jax.random.randint(k2, (2, N_EDGES), 0, N_NODES, dtype=jnp.int64)
    # glorot uniform init for weight, zeros for bias (matches tf.initializers.glorot_uniform / zeros)
    limit = np.sqrt(6.0 / (IN_FEATS + OUT_FEATS)).astype(np.float32)
    W = jax.random.uniform(k3, (IN_FEATS, OUT_FEATS), dtype=jnp.float32, minval=-limit, maxval=limit)
    b = jnp.zeros((OUT_FEATS,), dtype=jnp.float32)
    return {"h": h, "edge_index": edge_index, "W": W, "b": b}


def reference(h, edge_index, W, b):
    # GCNLayer.call with dropout=0.0:
    #   g.ndata['h'] = h @ W
    #   g.update_all(copy_src('h','m'), sum('m','h'))  -> scatter-add of src features to dst nodes
    #   h = h + bias; h = relu(h)
    hw = jnp.matmul(h, W)
    src = edge_index[0]
    dst = edge_index[1]
    msgs = jnp.take(hw, src, axis=0)                      # gather (SparseCore-friendly)
    agg = jax.ops.segment_sum(msgs, dst, num_segments=N_NODES)  # scatter-add reduce
    out = agg + b
    out = jax.nn.relu(out)
    return out

if __name__ == "__main__":
    import jax
    _d = setup_inputs()
    print(jax.jit(kernel)(*tuple(_d.values())))

</pallas_src>

<mosaic_0001>
#map = affine_map<(d0, d1) -> (0)>
#map1 = affine_map<(d0, d1) -> (0, 0)>
#map2 = affine_map<(d0, d1) -> (0, 0, 0)>
module attributes {stable_mosaic.version = 14 : i64} {
  func.func @_scatter_gather(%arg0: i32, %arg1: i32, %arg2: memref<640000xi32, #tpu.memory_space<hbm>>, %arg3: memref<10000x128xf32, #tpu.memory_space<hbm>>, %arg4: memref<640x128xf32, #tpu.memory_space<hbm>>, %arg5: memref<2x10240x128xf32, #tpu.memory_space<hbm>>, %arg6: memref<5000xi32, #tpu.memory_space<vmem>>, %arg7: memref<5000xi32, #tpu.memory_space<vmem>>, %arg8: memref<128x128xf32, #tpu.memory_space<vmem>>, %arg9: memref<128x128xf32, #tpu.memory_space<vmem>>, %arg10: memref<10240x128xf32, #tpu.memory_space<vmem_shared>>, %arg11: memref<!tpu.dma_semaphore, #tpu.memory_space<semaphore_mem>>, %arg12: memref<!tpu.dma_semaphore, #tpu.memory_space<semaphore_mem>>, %arg13: memref<!tpu.dma_semaphore, #tpu.memory_space<semaphore_mem>>) attributes {dimension_semantics = [#tpu.dimension_semantics<core_parallel>, #tpu.dimension_semantics<subcore_parallel>], iteration_bounds = array<i64: 2, 16>, scalar_prefetch = 0 : i64, scratch_operands = 8 : i64, tpu.core_type = #tpu.core_type<sc_vector_subcore>, window_params = [{transform_indices = #map}, {transform_indices = #map1}, {transform_indices = #map1}, {transform_indices = #map2}]} {
    %mul3A = arith.constant 16 : i32
    %mul3A_0 = arith.muli %arg0, %mul3A : i32
    %add3A = arith.addi %mul3A_0, %arg1 : i32
    %mul3A_1 = arith.constant 640 : i32
    %mul3A_2 = arith.muli %arg1, %mul3A_1 : i32
    %dma_start3A = arith.constant 0 : i32
    %dma_start3A_3 = tpu.memref_slice %arg10[%mul3A_2, %dma_start3A] : memref<10240x128xf32, #tpu.memory_space<vmem_shared>> -> memref<640x128xf32, #tpu.memory_space<vmem_shared>>
    tpu.enqueue_dma source(%arg4 : memref<640x128xf32, #tpu.memory_space<hbm>>) target(%dma_start3A_3 : memref<640x128xf32, #tpu.memory_space<vmem_shared>>) target_semaphore(%arg13 : memref<!tpu.dma_semaphore, #tpu.memory_space<semaphore_mem>>)
    %mul3A_4 = arith.constant 10000 : i32
    %mul3A_5 = arith.muli %add3A, %mul3A_4 : i32
    "tpu.region"() ({
      %run_scoped3A = tpu.sem_alloc : memref<!tpu.dma_semaphore, #tpu.memory_space<semaphore_mem>>
      %dma_start3A_119 = tpu.memref_slice %arg2[%mul3A_5] : memref<640000xi32, #tpu.memory_space<hbm>> -> memref<5000xi32, #tpu.memory_space<hbm>>
      %dma_start3A_120 = tpu.memref_slice %arg2[%mul3A_5] : memref<640000xi32, #tpu.memory_space<hbm>> -> memref<5000xi32, #tpu.memory_space<hbm>>
      tpu.enqueue_dma source(%dma_start3A_120 : memref<5000xi32, #tpu.memory_space<hbm>>) target(%arg6 : memref<5000xi32, #tpu.memory_space<vmem>>) target_semaphore(%run_scoped3A : memref<!tpu.dma_semaphore, #tpu.memory_space<semaphore_mem>>)
      %dma_wait3A_121 = tpu.memref_slice %arg2[%mul3A_5] : memref<640000xi32, #tpu.memory_space<hbm>> -> memref<5000xi32, #tpu.memory_space<hbm>>
      %dma_wait3A_122 = tpu.memref_slice %arg2[%mul3A_5] : memref<640000xi32, #tpu.memory_space<hbm>> -> memref<5000xi32, #tpu.memory_space<hbm>>
      tpu.wait_dma2 semaphore(%run_scoped3A : memref<!tpu.dma_semaphore, #tpu.memory_space<semaphore_mem>>) src(%dma_wait3A_122 : memref<5000xi32, #tpu.memory_space<hbm>>) dst(%arg6 : memref<5000xi32, #tpu.memory_space<vmem>>)
      tpu.yield
    }) : () -> ()
    %add3A_6 = arith.constant 320000 : i32
    %add3A_7 = arith.addi %add3A_6, %mul3A_5 : i32
    "tpu.region"() ({
      %run_scoped3A = tpu.sem_alloc : memref<!tpu.dma_semaphore, #tpu.memory_space<semaphore_mem>>
      %dma_start3A_119 = tpu.memref_slice %arg2[%add3A_7] : memref<640000xi32, #tpu.memory_space<hbm>> -> memref<5000xi32, #tpu.memory_space<hbm>>
      %dma_start3A_120 = tpu.memref_slice %arg2[%add3A_7] : memref<640000xi32, #tpu.memory_space<hbm>> -> memref<5000xi32, #tpu.memory_space<hbm>>
      tpu.enqueue_dma source(%dma_start3A_120 : memref<5000xi32, #tpu.memory_space<hbm>>) target(%arg7 : memref<5000xi32, #tpu.memory_space<vmem>>) target_semaphore(%run_scoped3A : memref<!tpu.dma_semaphore, #tpu.memory_space<semaphore_mem>>)
      %dma_wait3A_121 = tpu.memref_slice %arg2[%add3A_7] : memref<640000xi32, #tpu.memory_space<hbm>> -> memref<5000xi32, #tpu.memory_space<hbm>>
      %dma_wait3A_122 = tpu.memref_slice %arg2[%add3A_7] : memref<640000xi32, #tpu.memory_space<hbm>> -> memref<5000xi32, #tpu.memory_space<hbm>>
      tpu.wait_dma2 semaphore(%run_scoped3A : memref<!tpu.dma_semaphore, #tpu.memory_space<semaphore_mem>>) src(%dma_wait3A_122 : memref<5000xi32, #tpu.memory_space<hbm>>) dst(%arg7 : memref<5000xi32, #tpu.memory_space<vmem>>)
      tpu.yield
    }) : () -> ()
    %dma_wait3A = arith.constant 0 : i32
    %dma_wait3A_8 = tpu.memref_slice %arg10[%mul3A_2, %dma_wait3A] : memref<10240x128xf32, #tpu.memory_space<vmem_shared>> -> memref<640x128xf32, #tpu.memory_space<vmem_shared>>
    tpu.wait_dma2 semaphore(%arg13 : memref<!tpu.dma_semaphore, #tpu.memory_space<semaphore_mem>>) src(%arg4 : memref<640x128xf32, #tpu.memory_space<hbm>>) dst(%dma_wait3A_8 : memref<640x128xf32, #tpu.memory_space<vmem_shared>>)
    %barrier3A = arith.constant 0 : index
    tpu.barrier barrier_id(%barrier3A)
    %dma_start3A_9 = arith.constant 0 : i32
    %dma_start3A_10 = tpu.memref_slice %arg6[%dma_start3A_9] : memref<5000xi32, #tpu.memory_space<vmem>> -> memref<128xi32, #tpu.memory_space<vmem>>
    %dma_start3A_11 = arith.constant 0 : i32
    %dma_start3A_12 = arith.constant 0 : i32
    %dma_start3A_13 = tpu.memref_slice %arg3[%dma_start3A_11, %dma_start3A_12] : memref<10000x128xf32, #tpu.memory_space<hbm>> -> memref<10000x128xf32, #tpu.memory_space<hbm>>
    tpu.enqueue_indirect_dma source(%dma_start3A_13 : memref<10000x128xf32, #tpu.memory_space<hbm>>) target(%arg8 : memref<128x128xf32, #tpu.memory_space<vmem>>) offsets(%dma_start3A_10 : memref<128xi32, #tpu.memory_space<vmem>>) semaphore(%arg11 : memref<!tpu.dma_semaphore, #tpu.memory_space<semaphore_mem>>)
    %dma_start3A_14 = arith.constant 128 : i32
    %dma_start3A_15 = tpu.memref_slice %arg6[%dma_start3A_14] : memref<5000xi32, #tpu.memory_space<vmem>> -> memref<128xi32, #tpu.memory_space<vmem>>
    %dma_start3A_16 = arith.constant 0 : i32
    %dma_start3A_17 = arith.constant 0 : i32
    %dma_start3A_18 = tpu.memref_slice %arg3[%dma_start3A_16, %dma_start3A_17] : memref<10000x128xf32, #tpu.memory_space<hbm>> -> memref<10000x128xf32, #tpu.memory_space<hbm>>
    tpu.enqueue_indirect_dma source(%dma_start3A_18 : memref<10000x128xf32, #tpu.memory_space<hbm>>) target(%arg9 : memref<128x128xf32, #tpu.memory_space<vmem>>) offsets(%dma_start3A_15 : memref<128xi32, #tpu.memory_space<vmem>>) semaphore(%arg12 : memref<!tpu.dma_semaphore, #tpu.memory_space<semaphore_mem>>)
    %scan3A = arith.constant 0 : i32
    %scan3A_19 = arith.constant 0 : i32
    %scan3A_20 = arith.constant 18 : i32
    %scan3A_21 = arith.addi %scan3A_19, %scan3A_20 : i32
    %scan3A_22 = arith.constant 1 : i32
    scf.for %scan3A_119 = %scan3A_19 to %scan3A_21 step %scan3A_22  : i32 {
      %mul3A_120 = arith.constant 2 : i32
      %mul3A_121 = arith.muli %scan3A_119, %mul3A_120 : i32
      %add3A_122 = arith.constant 0 : i32
      %add3A_123 = arith.addi %mul3A_121, %add3A_122 : i32
      %dma_wait3A_124 = arith.constant 0 : i32
      %dma_wait3A_125 = tpu.memref_slice %arg6[%dma_wait3A_124] : memref<5000xi32, #tpu.memory_space<vmem>> -> memref<128xi32, #tpu.memory_space<vmem>>
      %dma_wait3A_126 = arith.constant 0 : i32
      %dma_wait3A_127 = arith.constant 0 : i32
      %dma_wait3A_128 = tpu.memref_slice %arg3[%dma_wait3A_126, %dma_wait3A_127] : memref<10000x128xf32, #tpu.memory_space<hbm>> -> memref<10000x128xf32, #tpu.memory_space<hbm>>
      tpu.wait_indirect_dma semaphore(%arg11 : memref<!tpu.dma_semaphore, #tpu.memory_space<semaphore_mem>>) src(%dma_wait3A_128 : memref<10000x128xf32, #tpu.memory_space<hbm>>) dst(%arg8 : memref<128x128xf32, #tpu.memory_space<vmem>>)
      %mul3A_129 = arith.constant 128 : i32
      %mul3A_130 = arith.muli %add3A_123, %mul3A_129 : i32
      "tpu.region"() ({
        %run_scoped3A = tpu.sem_alloc : memref<!tpu.dma_semaphore, #tpu.memory_space<semaphore_mem>>
        %dma_start3A_156 = tpu.memref_slice %arg7[%mul3A_130] : memref<5000xi32, #tpu.memory_space<vmem>> -> memref<128xi32, #tpu.memory_space<vmem>>
        %dma_start3A_157 = arith.constant 0 : i32
        %dma_start3A_158 = arith.constant 0 : i32
        %dma_start3A_159 = tpu.memref_slice %arg10[%dma_start3A_157, %dma_start3A_158] : memref<10240x128xf32, #tpu.memory_space<vmem_shared>> -> memref<10240x128xf32, #tpu.memory_space<vmem_shared>>
        tpu.enqueue_indirect_dma source(%arg8 : memref<128x128xf32, #tpu.memory_space<vmem>>) target(%dma_start3A_159 : memref<10240x128xf32, #tpu.memory_space<vmem_shared>>) offsets(%dma_start3A_156 : memref<128xi32, #tpu.memory_space<vmem>>) semaphore(%run_scoped3A : memref<!tpu.dma_semaphore, #tpu.memory_space<semaphore_mem>>) {add = true}
        %dma_wait3A_160 = tpu.memref_slice %arg7[%mul3A_130] : memref<5000xi32, #tpu.memory_space<vmem>> -> memref<128xi32, #tpu.memory_space<vmem>>
        %dma_wait3A_161 = arith.constant 0 : i32
        %dma_wait3A_162 = arith.constant 0 : i32
        %dma_wait3A_163 = tpu.memref_slice %arg10[%dma_wait3A_161, %dma_wait3A_162] : memref<10240x128xf32, #tpu.memory_space<vmem_shared>> -> memref<10240x128xf32, #tpu.memory_space<vmem_shared>>
        tpu.wait_indirect_dma semaphore(%run_scoped3A : memref<!tpu.dma_semaphore, #tpu.memory_space<semaphore_mem>>) src(%arg8 : memref<128x128xf32, #tpu.memory_space<vmem>>) dst(%dma_wait3A_163 : memref<10240x128xf32, #tpu.memory_space<vmem_shared>>)
        tpu.yield
      }) : () -> ()
      %add3A_131 = arith.constant 2 : i32
      %add3A_132 = arith.addi %add3A_123, %add3A_131 : i32
      %mul3A_133 = arith.constant 128 : i32
      %mul3A_134 = arith.muli %add3A_132, %mul3A_133 : i32
      %dma_start3A_135 = tpu.memref_slice %arg6[%mul3A_134] : memref<5000xi32, #tpu.memory_space<vmem>> -> memref<128xi32, #tpu.memory_space<vmem>>
      %dma_start3A_136 = arith.constant 0 : i32
      %dma_start3A_137 = arith.constant 0 : i32
      %dma_start3A_138 = tpu.memref_slice %arg3[%dma_start3A_136, %dma_start3A_137] : memref<10000x128xf32, #tpu.memory_space<hbm>> -> memref<10000x128xf32, #tpu.memory_space<hbm>>
      tpu.enqueue_indirect_dma source(%dma_start3A_138 : memref<10000x128xf32, #tpu.memory_space<hbm>>) target(%arg8 : memref<128x128xf32, #tpu.memory_space<vmem>>) offsets(%dma_start3A_135 : memref<128xi32, #tpu.memory_space<vmem>>) semaphore(%arg11 : memref<!tpu.dma_semaphore, #tpu.memory_space<semaphore_mem>>)
      %add3A_139 = arith.constant 1 : i32
      %add3A_140 = arith.addi %mul3A_121, %add3A_139 : i32
      %dma_wait3A_141 = arith.constant 0 : i32
      %dma_wait3A_142 = tpu.memref_slice %arg6[%dma_wait3A_141] : memref<5000xi32, #tpu.memory_space<vmem>> -> memref<128xi32, #tpu.memory_space<vmem>>
      %dma_wait3A_143 = arith.constant 0 : i32
      %dma_wait3A_144 = arith.constant 0 : i32
      %dma_wait3A_145 = tpu.memref_slice %arg3[%dma_wait3A_143, %dma_wait3A_144] : memref<10000x128xf32, #tpu.memory_space<hbm>> -> memref<10000x128xf32, #tpu.memory_space<hbm>>
      tpu.wait_indirect_dma semaphore(%arg12 : memref<!tpu.dma_semaphore, #tpu.memory_space<semaphore_mem>>) src(%dma_wait3A_145 : memref<10000x128xf32, #tpu.memory_space<hbm>>) dst(%arg9 : memref<128x128xf32, #tpu.memory_space<vmem>>)
      %mul3A_146 = arith.constant 128 : i32
      %mul3A_147 = arith.muli %add3A_140, %mul3A_146 : i32
      "tpu.region"() ({
        %run_scoped3A = tpu.sem_alloc : memref<!tpu.dma_semaphore, #tpu.memory_space<semaphore_mem>>
        %dma_start3A_156 = tpu.memref_slice %arg7[%mul3A_147] : memref<5000xi32, #tpu.memory_space<vmem>> -> memref<128xi32, #tpu.memory_space<vmem>>
        %dma_start3A_157 = arith.constant 0 : i32
        %dma_start3A_158 = arith.constant 0 : i32
        %dma_start3A_159 = tpu.memref_slice %arg10[%dma_start3A_157, %dma_start3A_158] : memref<10240x128xf32, #tpu.memory_space<vmem_shared>> -> memref<10240x128xf32, #tpu.memory_space<vmem_shared>>
        tpu.enqueue_indirect_dma source(%arg9 : memref<128x128xf32, #tpu.memory_space<vmem>>) target(%dma_start3A_159 : memref<10240x128xf32, #tpu.memory_space<vmem_shared>>) offsets(%dma_start3A_156 : memref<128xi32, #tpu.memory_space<vmem>>) semaphore(%run_scoped3A : memref<!tpu.dma_semaphore, #tpu.memory_space<semaphore_mem>>) {add = true}
        %dma_wait3A_160 = tpu.memref_slice %arg7[%mul3A_147] : memref<5000xi32, #tpu.memory_space<vmem>> -> memref<128xi32, #tpu.memory_space<vmem>>
        %dma_wait3A_161 = arith.constant 0 : i32
        %dma_wait3A_162 = arith.constant 0 : i32
        %dma_wait3A_163 = tpu.memref_slice %arg10[%dma_wait3A_161, %dma_wait3A_162] : memref<10240x128xf32, #tpu.memory_space<vmem_shared>> -> memref<10240x128xf32, #tpu.memory_space<vmem_shared>>
        tpu.wait_indirect_dma semaphore(%run_scoped3A : memref<!tpu.dma_semaphore, #tpu.memory_space<semaphore_mem>>) src(%arg9 : memref<128x128xf32, #tpu.memory_space<vmem>>) dst(%dma_wait3A_163 : memref<10240x128xf32, #tpu.memory_space<vmem_shared>>)
        tpu.yield
      }) : () -> ()
      %add3A_148 = arith.constant 2 : i32
      %add3A_149 = arith.addi %add3A_140, %add3A_148 : i32
      %mul3A_150 = arith.constant 128 : i32
      %mul3A_151 = arith.muli %add3A_149, %mul3A_150 : i32
      %dma_start3A_152 = tpu.memref_slice %arg6[%mul3A_151] : memref<5000xi32, #tpu.memory_space<vmem>> -> memref<128xi32, #tpu.memory_space<vmem>>
      %dma_start3A_153 = arith.constant 0 : i32
      %dma_start3A_154 = arith.constant 0 : i32
      %dma_start3A_155 = tpu.memref_slice %arg3[%dma_start3A_153, %dma_start3A_154] : memref<10000x128xf32, #tpu.memory_space<hbm>> -> memref<10000x128xf32, #tpu.memory_space<hbm>>
      tpu.enqueue_indirect_dma source(%dma_start3A_155 : memref<10000x128xf32, #tpu.memory_space<hbm>>) target(%arg9 : memref<128x128xf32, #tpu.memory_space<vmem>>) offsets(%dma_start3A_152 : memref<128xi32, #tpu.memory_space<vmem>>) semaphore(%arg12 : memref<!tpu.dma_semaphore, #tpu.memory_space<semaphore_mem>>)
    }
    %scan3A_23 = arith.constant 18 : i32
    %dma_wait3A_24 = arith.constant 0 : i32
    %dma_wait3A_25 = tpu.memref_slice %arg6[%dma_wait3A_24] : memref<5000xi32, #tpu.memory_space<vmem>> -> memref<128xi32, #tpu.memory_space<vmem>>
    %dma_wait3A_26 = arith.constant 0 : i32
    %dma_wait3A_27 = arith.constant 0 : i32
    %dma_wait3A_28 = tpu.memref_slice %arg3[%dma_wait3A_26, %dma_wait3A_27] : memref<10000x128xf32, #tpu.memory_space<hbm>> -> memref<10000x128xf32, #tpu.memory_space<hbm>>
    tpu.wait_indirect_dma semaphore(%arg11 : memref<!tpu.dma_semaphore, #tpu.memory_space<semaphore_mem>>) src(%dma_wait3A_28 : memref<10000x128xf32, #tpu.memory_space<hbm>>) dst(%arg8 : memref<128x128xf32, #tpu.memory_space<vmem>>)
    "tpu.region"() ({
      %run_scoped3A = tpu.sem_alloc : memref<!tpu.dma_semaphore, #tpu.memory_space<semaphore_mem>>
      %dma_start3A_119 = arith.constant 4608 : i32
      %dma_start3A_120 = tpu.memref_slice %arg7[%dma_start3A_119] : memref<5000xi32, #tpu.memory_space<vmem>> -> memref<128xi32, #tpu.memory_space<vmem>>
      %dma_start3A_121 = arith.constant 0 : i32
      %dma_start3A_122 = arith.constant 0 : i32
      %dma_start3A_123 = tpu.memref_slice %arg10[%dma_start3A_121, %dma_start3A_122] : memref<10240x128xf32, #tpu.memory_space<vmem_shared>> -> memref<10240x128xf32, #tpu.memory_space<vmem_shared>>
      tpu.enqueue_indirect_dma source(%arg8 : memref<128x128xf32, #tpu.memory_space<vmem>>) target(%dma_start3A_123 : memref<10240x128xf32, #tpu.memory_space<vmem_shared>>) offsets(%dma_start3A_120 : memref<128xi32, #tpu.memory_space<vmem>>) semaphore(%run_scoped3A : memref<!tpu.dma_semaphore, #tpu.memory_space<semaphore_mem>>) {add = true}
      %dma_wait3A_124 = arith.constant 4608 : i32
      %dma_wait3A_125 = tpu.memref_slice %arg7[%dma_wait3A_124] : memref<5000xi32, #tpu.memory_space<vmem>> -> memref<128xi32, #tpu.memory_space<vmem>>
      %dma_wait3A_126 = arith.constant 0 : i32
      %dma_wait3A_127 = arith.constant 0 : i32
      %dma_wait3A_128 = tpu.memref_slice %arg10[%dma_wait3A_126, %dma_wait3A_127] : memref<10240x128xf32, #tpu.memory_space<vmem_shared>> -> memref<10240x128xf32, #tpu.memory_space<vmem_shared>>
      tpu.wait_indirect_dma semaphore(%run_scoped3A : memref<!tpu.dma_semaphore, #tpu.memory_space<semaphore_mem>>) src(%arg8 : memref<128x128xf32, #tpu.memory_space<vmem>>) dst(%dma_wait3A_128 : memref<10240x128xf32, #tpu.memory_space<vmem_shared>>)
      tpu.yield
    }) : () -> ()
    %dma_start3A_29 = arith.constant 4864 : i32
    %dma_start3A_30 = tpu.memref_slice %arg6[%dma_start3A_29] : memref<5000xi32, #tpu.memory_space<vmem>> -> memref<128xi32, #tpu.memory_space<vmem>>
    %dma_start3A_31 = arith.constant 0 : i32
    %dma_start3A_32 = arith.constant 0 : i32
    %dma_start3A_33 = tpu.memref_slice %arg3[%dma_start3A_31, %dma_start3A_32] : memref<10000x128xf32, #tpu.memory_space<hbm>> -> memref<10000x128xf32, #tpu.memory_space<hbm>>
    tpu.enqueue_indirect_dma source(%dma_start3A_33 : memref<10000x128xf32, #tpu.memory_space<hbm>>) target(%arg8 : memref<128x128xf32, #tpu.memory_space<vmem>>) offsets(%dma_start3A_30 : memref<128xi32, #tpu.memory_space<vmem>>) semaphore(%arg11 : memref<!tpu.dma_semaphore, #tpu.memory_space<semaphore_mem>>)
    %dma_wait3A_34 = arith.constant 0 : i32
    %dma_wait3A_35 = tpu.memref_slice %arg6[%dma_wait3A_34] : memref<5000xi32, #tpu.memory_space<vmem>> -> memref<128xi32, #tpu.memory_space<vmem>>
    %dma_wait3A_36 = arith.constant 0 : i32
    %dma_wait3A_37 = arith.constant 0 : i32
    %dma_wait3A_38 = tpu.memref_slice %arg3[%dma_wait3A_36, %dma_wait3A_37] : memref<10000x128xf32, #tpu.memory_space<hbm>> -> memref<10000x128xf32, #tpu.memory_space<hbm>>
    tpu.wait_indirect_dma semaphore(%arg12 : memref<!tpu.dma_semaphore, #tpu.memory_space<semaphore_mem>>) src(%dma_wait3A_38 : memref<10000x128xf32, #tpu.memory_space<hbm>>) dst(%arg9 : memref<128x128xf32, #tpu.memory_space<vmem>>)
    "tpu.region"() ({
      %run_scoped3A = tpu.sem_alloc : memref<!tpu.dma_semaphore, #tpu.memory_space<semaphore_mem>>
      %dma_start3A_119 = arith.constant 4736 : i32
      %dma_start3A_120 = tpu.memref_slice %arg7[%dma_start3A_119] : memref<5000xi32, #tpu.memory_space<vmem>> -> memref<128xi32, #tpu.memory_space<vmem>>
      %dma_start3A_121 = arith.constant 0 : i32
      %dma_start3A_122 = arith.constant 0 : i32
      %dma_start3A_123 = tpu.memref_slice %arg10[%dma_start3A_121, %dma_start3A_122] : memref<10240x128xf32, #tpu.memory_space<vmem_shared>> -> memref<10240x128xf32, #tpu.memory_space<vmem_shared>>
      tpu.enqueue_indirect_dma source(%arg9 : memref<128x128xf32, #tpu.memory_space<vmem>>) target(%dma_start3A_123 : memref<10240x128xf32, #tpu.memory_space<vmem_shared>>) offsets(%dma_start3A_120 : memref<128xi32, #tpu.memory_space<vmem>>) semaphore(%run_scoped3A : memref<!tpu.dma_semaphore, #tpu.memory_space<semaphore_mem>>) {add = true}
      %dma_wait3A_124 = arith.constant 4736 : i32
      %dma_wait3A_125 = tpu.memref_slice %arg7[%dma_wait3A_124] : memref<5000xi32, #tpu.memory_space<vmem>> -> memref<128xi32, #tpu.memory_space<vmem>>
      %dma_wait3A_126 = arith.constant 0 : i32
      %dma_wait3A_127 = arith.constant 0 : i32
      %dma_wait3A_128 = tpu.memref_slice %arg10[%dma_wait3A_126, %dma_wait3A_127] : memref<10240x128xf32, #tpu.memory_space<vmem_shared>> -> memref<10240x128xf32, #tpu.memory_space<vmem_shared>>
      tpu.wait_indirect_dma semaphore(%run_scoped3A : memref<!tpu.dma_semaphore, #tpu.memory_space<semaphore_mem>>) src(%arg9 : memref<128x128xf32, #tpu.memory_space<vmem>>) dst(%dma_wait3A_128 : memref<10240x128xf32, #tpu.memory_space<vmem_shared>>)
      tpu.yield
    }) : () -> ()
    %dma_wait3A_39 = arith.constant 0 : i32
    %dma_wait3A_40 = tpu.memref_slice %arg6[%dma_wait3A_39] : memref<5000xi32, #tpu.memory_space<vmem>> -> memref<128xi32, #tpu.memory_space<vmem>>
    %dma_wait3A_41 = arith.constant 0 : i32
    %dma_wait3A_42 = arith.constant 0 : i32
    %dma_wait3A_43 = tpu.memref_slice %arg3[%dma_wait3A_41, %dma_wait3A_42] : memref<10000x128xf32, #tpu.memory_space<hbm>> -> memref<10000x128xf32, #tpu.memory_space<hbm>>
    tpu.wait_indirect_dma semaphore(%arg11 : memref<!tpu.dma_semaphore, #tpu.memory_space<semaphore_mem>>) src(%dma_wait3A_43 : memref<10000x128xf32, #tpu.memory_space<hbm>>) dst(%arg8 : memref<128x128xf32, #tpu.memory_space<vmem>>)
    "tpu.region"() ({
      %run_scoped3A = tpu.sem_alloc : memref<!tpu.dma_semaphore, #tpu.memory_space<semaphore_mem>>
      %dma_start3A_119 = arith.constant 4864 : i32
      %dma_start3A_120 = tpu.memref_slice %arg7[%dma_start3A_119] : memref<5000xi32, #tpu.memory_space<vmem>> -> memref<128xi32, #tpu.memory_space<vmem>>
      %dma_start3A_121 = arith.constant 0 : i32
      %dma_start3A_122 = arith.constant 0 : i32
      %dma_start3A_123 = tpu.memref_slice %arg10[%dma_start3A_121, %dma_start3A_122] : memref<10240x128xf32, #tpu.memory_space<vmem_shared>> -> memref<10240x128xf32, #tpu.memory_space<vmem_shared>>
      tpu.enqueue_indirect_dma source(%arg8 : memref<128x128xf32, #tpu.memory_space<vmem>>) target(%dma_start3A_123 : memref<10240x128xf32, #tpu.memory_space<vmem_shared>>) offsets(%dma_start3A_120 : memref<128xi32, #tpu.memory_space<vmem>>) semaphore(%run_scoped3A : memref<!tpu.dma_semaphore, #tpu.memory_space<semaphore_mem>>) {add = true}
      %dma_wait3A_124 = arith.constant 4864 : i32
      %dma_wait3A_125 = tpu.memref_slice %arg7[%dma_wait3A_124] : memref<5000xi32, #tpu.memory_space<vmem>> -> memref<128xi32, #tpu.memory_space<vmem>>
      %dma_wait3A_126 = arith.constant 0 : i32
      %dma_wait3A_127 = arith.constant 0 : i32
      %dma_wait3A_128 = tpu.memref_slice %arg10[%dma_wait3A_126, %dma_wait3A_127] : memref<10240x128xf32, #tpu.memory_space<vmem_shared>> -> memref<10240x128xf32, #tpu.memory_space<vmem_shared>>
      tpu.wait_indirect_dma semaphore(%run_scoped3A : memref<!tpu.dma_semaphore, #tpu.memory_space<semaphore_mem>>) src(%arg8 : memref<128x128xf32, #tpu.memory_space<vmem>>) dst(%dma_wait3A_128 : memref<10240x128xf32, #tpu.memory_space<vmem_shared>>)
      tpu.yield
    }) : () -> ()
    %dma_start3A_44 = arith.constant 0 : i32
    %dma_start3A_45 = arith.constant 0 : i32
    %dma_start3A_46 = tpu.memref_slice %arg8[%dma_start3A_44, %dma_start3A_45] : memref<128x128xf32, #tpu.memory_space<vmem>> -> memref<8x128xf32, #tpu.memory_space<vmem>>
    %dma_start3A_47 = arith.constant 4992 : i32
    %dma_start3A_48 = tpu.memref_slice %arg6[%dma_start3A_47] : memref<5000xi32, #tpu.memory_space<vmem>> -> memref<8xi32, #tpu.memory_space<vmem>>
    %dma_start3A_49 = arith.constant 0 : i32
    %dma_start3A_50 = arith.constant 0 : i32
    %dma_start3A_51 = tpu.memref_slice %arg3[%dma_start3A_49, %dma_start3A_50] : memref<10000x128xf32, #tpu.memory_space<hbm>> -> memref<10000x128xf32, #tpu.memory_space<hbm>>
    tpu.enqueue_indirect_dma source(%dma_start3A_51 : memref<10000x128xf32, #tpu.memory_space<hbm>>) target(%dma_start3A_46 : memref<8x128xf32, #tpu.memory_space<vmem>>) offsets(%dma_start3A_48 : memref<8xi32, #tpu.memory_space<vmem>>) semaphore(%arg11 : memref<!tpu.dma_semaphore, #tpu.memory_space<semaphore_mem>>)
    %dma_wait3A_52 = arith.constant 0 : i32
    %dma_wait3A_53 = arith.constant 0 : i32
    %dma_wait3A_54 = tpu.memref_slice %arg8[%dma_wait3A_52, %dma_wait3A_53] : memref<128x128xf32, #tpu.memory_space<vmem>> -> memref<8x128xf32, #tpu.memory_space<vmem>>
    %dma_wait3A_55 = arith.constant 4992 : i32
    %dma_wait3A_56 = tpu.memref_slice %arg6[%dma_wait3A_55] : memref<5000xi32, #tpu.memory_space<vmem>> -> memref<8xi32, #tpu.memory_space<vmem>>
    %dma_wait3A_57 = arith.constant 0 : i32
    %dma_wait3A_58 = arith.constant 0 : i32
    %dma_wait3A_59 = tpu.memref_slice %arg3[%dma_wait3A_57, %dma_wait3A_58] : memref<10000x128xf32, #tpu.memory_space<hbm>> -> memref<10000x128xf32, #tpu.memory_space<hbm>>
    tpu.wait_indirect_dma semaphore(%arg11 : memref<!tpu.dma_semaphore, #tpu.memory_space<semaphore_mem>>) src(%dma_wait3A_59 : memref<10000x128xf32, #tpu.memory_space<hbm>>) dst(%dma_wait3A_54 : memref<8x128xf32, #tpu.memory_space<vmem>>)
    "tpu.region"() ({
      %run_scoped3A = tpu.sem_alloc : memref<!tpu.dma_semaphore, #tpu.memory_space<semaphore_mem>>
      %dma_start3A_119 = arith.constant 0 : i32
      %dma_start3A_120 = arith.constant 0 : i32
      %dma_start3A_121 = tpu.memref_slice %arg8[%dma_start3A_119, %dma_start3A_120] : memref<128x128xf32, #tpu.memory_space<vmem>> -> memref<8x128xf32, #tpu.memory_space<vmem>>
      %dma_start3A_122 = arith.constant 4992 : i32
      %dma_start3A_123 = tpu.memref_slice %arg7[%dma_start3A_122] : memref<5000xi32, #tpu.memory_space<vmem>> -> memref<8xi32, #tpu.memory_space<vmem>>
      %dma_start3A_124 = arith.constant 0 : i32
      %dma_start3A_125 = arith.constant 0 : i32
      %dma_start3A_126 = tpu.memref_slice %arg10[%dma_start3A_124, %dma_start3A_125] : memref<10240x128xf32, #tpu.memory_space<vmem_shared>> -> memref<10240x128xf32, #tpu.memory_space<vmem_shared>>
      tpu.enqueue_indirect_dma source(%dma_start3A_121 : memref<8x128xf32, #tpu.memory_space<vmem>>) target(%dma_start3A_126 : memref<10240x128xf32, #tpu.memory_space<vmem_shared>>) offsets(%dma_start3A_123 : memref<8xi32, #tpu.memory_space<vmem>>) semaphore(%run_scoped3A : memref<!tpu.dma_semaphore, #tpu.memory_space<semaphore_mem>>) {add = true}
      %dma_wait3A_127 = arith.constant 0 : i32
      %dma_wait3A_128 = arith.constant 0 : i32
      %dma_wait3A_129 = tpu.memref_slice %arg8[%dma_wait3A_127, %dma_wait3A_128] : memref<128x128xf32, #tpu.memory_space<vmem>> -> memref<8x128xf32, #tpu.memory_space<vmem>>
      %dma_wait3A_130 = arith.constant 4992 : i32
      %dma_wait3A_131 = tpu.memref_slice %arg7[%dma_wait3A_130] : memref<5000xi32, #tpu.memory_space<vmem>> -> memref<8xi32, #tpu.memory_space<vmem>>
      %dma_wait3A_132 = arith.constant 0 : i32
      %dma_wait3A_133 = arith.constant 0 : i32
      %dma_wait3A_134 = tpu.memref_slice %arg10[%dma_wait3A_132, %dma_wait3A_133] : memref<10240x128xf32, #tpu.memory_space<vmem_shared>> -> memref<10240x128xf32, #tpu.memory_space<vmem_shared>>
      tpu.wait_indirect_dma semaphore(%run_scoped3A : memref<!tpu.dma_semaphore, #tpu.memory_space<semaphore_mem>>) src(%dma_wait3A_129 : memref<8x128xf32, #tpu.memory_space<vmem>>) dst(%dma_wait3A_134 : memref<10240x128xf32, #tpu.memory_space<vmem_shared>>)
      tpu.yield
    }) : () -> ()
    %mul3A_60 = arith.constant 10000 : i32
    %mul3A_61 = arith.muli %add3A, %mul3A_60 : i32
    %add3A_62 = arith.constant 5000 : i32
    %add3A_63 = arith.addi %mul3A_61, %add3A_62 : i32
    "tpu.region"() ({
      %run_scoped3A = tpu.sem_alloc : memref<!tpu.dma_semaphore, #tpu.memory_space<semaphore_mem>>
      %dma_start3A_119 = tpu.memref_slice %arg2[%add3A_63] : memref<640000xi32, #tpu.memory_space<hbm>> -> memref<5000xi32, #tpu.memory_space<hbm>>
      %dma_start3A_120 = tpu.memref_slice %arg2[%add3A_63] : memref<640000xi32, #tpu.memory_space<hbm>> -> memref<5000xi32, #tpu.memory_space<hbm>>
      tpu.enqueue_dma source(%dma_start3A_120 : memref<5000xi32, #tpu.memory_space<hbm>>) target(%arg6 : memref<5000xi32, #tpu.memory_space<vmem>>) target_semaphore(%run_scoped3A : memref<!tpu.dma_semaphore, #tpu.memory_space<semaphore_mem>>)
      %dma_wait3A_121 = tpu.memref_slice %arg2[%add3A_63] : memref<640000xi32, #tpu.memory_space<hbm>> -> memref<5000xi32, #tpu.memory_space<hbm>>
      %dma_wait3A_122 = tpu.memref_slice %arg2[%add3A_63] : memref<640000xi32, #tpu.memory_space<hbm>> -> memref<5000xi32, #tpu.memory_space<hbm>>
      tpu.wait_dma2 semaphore(%run_scoped3A : memref<!tpu.dma_semaphore, #tpu.memory_space<semaphore_mem>>) src(%dma_wait3A_122 : memref<5000xi32, #tpu.memory_space<hbm>>) dst(%arg6 : memref<5000xi32, #tpu.memory_space<vmem>>)
      tpu.yield
    }) : () -> ()
    %add3A_64 = arith.constant 320000 : i32
    %add3A_65 = arith.addi %add3A_64, %add3A_63 : i32
    "tpu.region"() ({
      %run_scoped3A = tpu.sem_alloc : memref<!tpu.dma_semaphore, #tpu.memory_space<semaphore_mem>>
      %dma_start3A_119 = tpu.memref_slice %arg2[%add3A_65] : memref<640000xi32, #tpu.memory_space<hbm>> -> memref<5000xi32, #tpu.memory_space<hbm>>
      %dma_start3A_120 = tpu.memref_slice %arg2[%add3A_65] : memref<640000xi32, #tpu.memory_space<hbm>> -> memref<5000xi32, #tpu.memory_space<hbm>>
      tpu.enqueue_dma source(%dma_start3A_120 : memref<5000xi32, #tpu.memory_space<hbm>>) target(%arg7 : memref<5000xi32, #tpu.memory_space<vmem>>) target_semaphore(%run_scoped3A : memref<!tpu.dma_semaphore, #tpu.memory_space<semaphore_mem>>)
      %dma_wait3A_121 = tpu.memref_slice %arg2[%add3A_65] : memref<640000xi32, #tpu.memory_space<hbm>> -> memref<5000xi32, #tpu.memory_space<hbm>>
      %dma_wait3A_122 = tpu.memref_slice %arg2[%add3A_65] : memref<640000xi32, #tpu.memory_space<hbm>> -> memref<5000xi32, #tpu.memory_space<hbm>>
      tpu.wait_dma2 semaphore(%run_scoped3A : memref<!tpu.dma_semaphore, #tpu.memory_space<semaphore_mem>>) src(%dma_wait3A_122 : memref<5000xi32, #tpu.memory_space<hbm>>) dst(%arg7 : memref<5000xi32, #tpu.memory_space<vmem>>)
      tpu.yield
    }) : () -> ()
    %dma_start3A_66 = arith.constant 0 : i32
    %dma_start3A_67 = tpu.memref_slice %arg6[%dma_start3A_66] : memref<5000xi32, #tpu.memory_space<vmem>> -> memref<128xi32, #tpu.memory_space<vmem>>
    %dma_start3A_68 = arith.constant 0 : i32
    %dma_start3A_69 = arith.constant 0 : i32
    %dma_start3A_70 = tpu.memref_slice %arg3[%dma_start3A_68, %dma_start3A_69] : memref<10000x128xf32, #tpu.memory_space<hbm>> -> memref<10000x128xf32, #tpu.memory_space<hbm>>
    tpu.enqueue_indirect_dma source(%dma_start3A_70 : memref<10000x128xf32, #tpu.memory_space<hbm>>) target(%arg8 : memref<128x128xf32, #tpu.memory_space<vmem>>) offsets(%dma_start3A_67 : memref<128xi32, #tpu.memory_space<vmem>>) semaphore(%arg11 : memref<!tpu.dma_semaphore, #tpu.memory_space<semaphore_mem>>)
    %dma_start3A_71 = arith.constant 128 : i32
    %dma_start3A_72 = tpu.memref_slice %arg6[%dma_start3A_71] : memref<5000xi32, #tpu.memory_space<vmem>> -> memref<128xi32, #tpu.memory_space<vmem>>
    %dma_start3A_73 = arith.constant 0 : i32
    %dma_start3A_74 = arith.constant 0 : i32
    %dma_start3A_75 = tpu.memref_slice %arg3[%dma_start3A_73, %dma_start3A_74] : memref<10000x128xf32, #tpu.memory_space<hbm>> -> memref<10000x128xf32, #tpu.memory_space<hbm>>
    tpu.enqueue_indirect_dma source(%dma_start3A_75 : memref<10000x128xf32, #tpu.memory_space<hbm>>) target(%arg9 : memref<128x128xf32, #tpu.memory_space<vmem>>) offsets(%dma_start3A_72 : memref<128xi32, #tpu.memory_space<vmem>>) semaphore(%arg12 : memref<!tpu.dma_semaphore, #tpu.memory_space<semaphore_mem>>)
    %scan3A_76 = arith.constant 0 : i32
    %scan3A_77 = arith.constant 0 : i32
    %scan3A_78 = arith.constant 18 : i32
    %scan3A_79 = arith.addi %scan3A_77, %scan3A_78 : i32
    %scan3A_80 = arith.constant 1 : i32
    scf.for %scan3A_119 = %scan3A_77 to %scan3A_79 step %scan3A_80  : i32 {
      %mul3A_120 = arith.constant 2 : i32
      %mul3A_121 = arith.muli %scan3A_119, %mul3A_120 : i32
      %add3A_122 = arith.constant 0 : i32
      %add3A_123 = arith.addi %mul3A_121, %add3A_122 : i32
      %dma_wait3A_124 = arith.constant 0 : i32
      %dma_wait3A_125 = tpu.memref_slice %arg6[%dma_wait3A_124] : memref<5000xi32, #tpu.memory_space<vmem>> -> memref<128xi32, #tpu.memory_space<vmem>>
      %dma_wait3A_126 = arith.constant 0 : i32
      %dma_wait3A_127 = arith.constant 0 : i32
      %dma_wait3A_128 = tpu.memref_slice %arg3[%dma_wait3A_126, %dma_wait3A_127] : memref<10000x128xf32, #tpu.memory_space<hbm>> -> memref<10000x128xf32, #tpu.memory_space<hbm>>
      tpu.wait_indirect_dma semaphore(%arg11 : memref<!tpu.dma_semaphore, #tpu.memory_space<semaphore_mem>>) src(%dma_wait3A_128 : memref<10000x128xf32, #tpu.memory_space<hbm>>) dst(%arg8 : memref<128x128xf32, #tpu.memory_space<vmem>>)
      %mul3A_129 = arith.constant 128 : i32
      %mul3A_130 = arith.muli %add3A_123, %mul3A_129 : i32
      "tpu.region"() ({
        %run_scoped3A = tpu.sem_alloc : memref<!tpu.dma_semaphore, #tpu.memory_space<semaphore_mem>>
        %dma_start3A_156 = tpu.memref_slice %arg7[%mul3A_130] : memref<5000xi32, #tpu.memory_space<vmem>> -> memref<128xi32, #tpu.memory_space<vmem>>
        %dma_start3A_157 = arith.constant 0 : i32
        %dma_start3A_158 = arith.constant 0 : i32
        %dma_start3A_159 = tpu.memref_slice %arg10[%dma_start3A_157, %dma_start3A_158] : memref<10240x128xf32, #tpu.memory_space<vmem_shared>> -> memref<10240x128xf32, #tpu.memory_space<vmem_shared>>
        tpu.enqueue_indirect_dma source(%arg8 : memref<128x128xf32, #tpu.memory_space<vmem>>) target(%dma_start3A_159 : memref<10240x128xf32, #tpu.memory_space<vmem_shared>>) offsets(%dma_start3A_156 : memref<128xi32, #tpu.memory_space<vmem>>) semaphore(%run_scoped3A : memref<!tpu.dma_semaphore, #tpu.memory_space<semaphore_mem>>) {add = true}
        %dma_wait3A_160 = tpu.memref_slice %arg7[%mul3A_130] : memref<5000xi32, #tpu.memory_space<vmem>> -> memref<128xi32, #tpu.memory_space<vmem>>
        %dma_wait3A_161 = arith.constant 0 : i32
        %dma_wait3A_162 = arith.constant 0 : i32
        %dma_wait3A_163 = tpu.memref_slice %arg10[%dma_wait3A_161, %dma_wait3A_162] : memref<10240x128xf32, #tpu.memory_space<vmem_shared>> -> memref<10240x128xf32, #tpu.memory_space<vmem_shared>>
        tpu.wait_indirect_dma semaphore(%run_scoped3A : memref<!tpu.dma_semaphore, #tpu.memory_space<semaphore_mem>>) src(%arg8 : memref<128x128xf32, #tpu.memory_space<vmem>>) dst(%dma_wait3A_163 : memref<10240x128xf32, #tpu.memory_space<vmem_shared>>)
        tpu.yield
      }) : () -> ()
      %add3A_131 = arith.constant 2 : i32
      %add3A_132 = arith.addi %add3A_123, %add3A_131 : i32
      %mul3A_133 = arith.constant 128 : i32
      %mul3A_134 = arith.muli %add3A_132, %mul3A_133 : i32
      %dma_start3A_135 = tpu.memref_slice %arg6[%mul3A_134] : memref<5000xi32, #tpu.memory_space<vmem>> -> memref<128xi32, #tpu.memory_space<vmem>>
      %dma_start3A_136 = arith.constant 0 : i32
      %dma_start3A_137 = arith.constant 0 : i32
      %dma_start3A_138 = tpu.memref_slice %arg3[%dma_start3A_136, %dma_start3A_137] : memref<10000x128xf32, #tpu.memory_space<hbm>> -> memref<10000x128xf32, #tpu.memory_space<hbm>>
      tpu.enqueue_indirect_dma source(%dma_start3A_138 : memref<10000x128xf32, #tpu.memory_space<hbm>>) target(%arg8 : memref<128x128xf32, #tpu.memory_space<vmem>>) offsets(%dma_start3A_135 : memref<128xi32, #tpu.memory_space<vmem>>) semaphore(%arg11 : memref<!tpu.dma_semaphore, #tpu.memory_space<semaphore_mem>>)
      %add3A_139 = arith.constant 1 : i32
      %add3A_140 = arith.addi %mul3A_121, %add3A_139 : i32
      %dma_wait3A_141 = arith.constant 0 : i32
      %dma_wait3A_142 = tpu.memref_slice %arg6[%dma_wait3A_141] : memref<5000xi32, #tpu.memory_space<vmem>> -> memref<128xi32, #tpu.memory_space<vmem>>
      %dma_wait3A_143 = arith.constant 0 : i32
      %dma_wait3A_144 = arith.constant 0 : i32
      %dma_wait3A_145 = tpu.memref_slice %arg3[%dma_wait3A_143, %dma_wait3A_144] : memref<10000x128xf32, #tpu.memory_space<hbm>> -> memref<10000x128xf32, #tpu.memory_space<hbm>>
      tpu.wait_indirect_dma semaphore(%arg12 : memref<!tpu.dma_semaphore, #tpu.memory_space<semaphore_mem>>) src(%dma_wait3A_145 : memref<10000x128xf32, #tpu.memory_space<hbm>>) dst(%arg9 : memref<128x128xf32, #tpu.memory_space<vmem>>)
      %mul3A_146 = arith.constant 128 : i32
      %mul3A_147 = arith.muli %add3A_140, %mul3A_146 : i32
      "tpu.region"() ({
        %run_scoped3A = tpu.sem_alloc : memref<!tpu.dma_semaphore, #tpu.memory_space<semaphore_mem>>
        %dma_start3A_156 = tpu.memref_slice %arg7[%mul3A_147] : memref<5000xi32, #tpu.memory_space<vmem>> -> memref<128xi32, #tpu.memory_space<vmem>>
        %dma_start3A_157 = arith.constant 0 : i32
        %dma_start3A_158 = arith.constant 0 : i32
        %dma_start3A_159 = tpu.memref_slice %arg10[%dma_start3A_157, %dma_start3A_158] : memref<10240x128xf32, #tpu.memory_space<vmem_shared>> -> memref<10240x128xf32, #tpu.memory_space<vmem_shared>>
        tpu.enqueue_indirect_dma source(%arg9 : memref<128x128xf32, #tpu.memory_space<vmem>>) target(%dma_start3A_159 : memref<10240x128xf32, #tpu.memory_space<vmem_shared>>) offsets(%dma_start3A_156 : memref<128xi32, #tpu.memory_space<vmem>>) semaphore(%run_scoped3A : memref<!tpu.dma_semaphore, #tpu.memory_space<semaphore_mem>>) {add = true}
        %dma_wait3A_160 = tpu.memref_slice %arg7[%mul3A_147] : memref<5000xi32, #tpu.memory_space<vmem>> -> memref<128xi32, #tpu.memory_space<vmem>>
        %dma_wait3A_161 = arith.constant 0 : i32
        %dma_wait3A_162 = arith.constant 0 : i32
        %dma_wait3A_163 = tpu.memref_slice %arg10[%dma_wait3A_161, %dma_wait3A_162] : memref<10240x128xf32, #tpu.memory_space<vmem_shared>> -> memref<10240x128xf32, #tpu.memory_space<vmem_shared>>
        tpu.wait_indirect_dma semaphore(%run_scoped3A : memref<!tpu.dma_semaphore, #tpu.memory_space<semaphore_mem>>) src(%arg9 : memref<128x128xf32, #tpu.memory_space<vmem>>) dst(%dma_wait3A_163 : memref<10240x128xf32, #tpu.memory_space<vmem_shared>>)
        tpu.yield
      }) : () -> ()
      %add3A_148 = arith.constant 2 : i32
      %add3A_149 = arith.addi %add3A_140, %add3A_148 : i32
      %mul3A_150 = arith.constant 128 : i32
      %mul3A_151 = arith.muli %add3A_149, %mul3A_150 : i32
      %dma_start3A_152 = tpu.memref_slice %arg6[%mul3A_151] : memref<5000xi32, #tpu.memory_space<vmem>> -> memref<128xi32, #tpu.memory_space<vmem>>
      %dma_start3A_153 = arith.constant 0 : i32
      %dma_start3A_154 = arith.constant 0 : i32
      %dma_start3A_155 = tpu.memref_slice %arg3[%dma_start3A_153, %dma_start3A_154] : memref<10000x128xf32, #tpu.memory_space<hbm>> -> memref<10000x128xf32, #tpu.memory_space<hbm>>
      tpu.enqueue_indirect_dma source(%dma_start3A_155 : memref<10000x128xf32, #tpu.memory_space<hbm>>) target(%arg9 : memref<128x128xf32, #tpu.memory_space<vmem>>) offsets(%dma_start3A_152 : memref<128xi32, #tpu.memory_space<vmem>>) semaphore(%arg12 : memref<!tpu.dma_semaphore, #tpu.memory_space<semaphore_mem>>)
    }
    %scan3A_81 = arith.constant 18 : i32
    %dma_wait3A_82 = arith.constant 0 : i32
    %dma_wait3A_83 = tpu.memref_slice %arg6[%dma_wait3A_82] : memref<5000xi32, #tpu.memory_space<vmem>> -> memref<128xi32, #tpu.memory_space<vmem>>
    %dma_wait3A_84 = arith.constant 0 : i32
    %dma_wait3A_85 = arith.constant 0 : i32
    %dma_wait3A_86 = tpu.memref_slice %arg3[%dma_wait3A_84, %dma_wait3A_85] : memref<10000x128xf32, #tpu.memory_space<hbm>> -> memref<10000x128xf32, #tpu.memory_space<hbm>>
    tpu.wait_indirect_dma semaphore(%arg11 : memref<!tpu.dma_semaphore, #tpu.memory_space<semaphore_mem>>) src(%dma_wait3A_86 : memref<10000x128xf32, #tpu.memory_space<hbm>>) dst(%arg8 : memref<128x128xf32, #tpu.memory_space<vmem>>)
    "tpu.region"() ({
      %run_scoped3A = tpu.sem_alloc : memref<!tpu.dma_semaphore, #tpu.memory_space<semaphore_mem>>
      %dma_start3A_119 = arith.constant 4608 : i32
      %dma_start3A_120 = tpu.memref_slice %arg7[%dma_start3A_119] : memref<5000xi32, #tpu.memory_space<vmem>> -> memref<128xi32, #tpu.memory_space<vmem>>
      %dma_start3A_121 = arith.constant 0 : i32
      %dma_start3A_122 = arith.constant 0 : i32
      %dma_start3A_123 = tpu.memref_slice %arg10[%dma_start3A_121, %dma_start3A_122] : memref<10240x128xf32, #tpu.memory_space<vmem_shared>> -> memref<10240x128xf32, #tpu.memory_space<vmem_shared>>
      tpu.enqueue_indirect_dma source(%arg8 : memref<128x128xf32, #tpu.memory_space<vmem>>) target(%dma_start3A_123 : memref<10240x128xf32, #tpu.memory_space<vmem_shared>>) offsets(%dma_start3A_120 : memref<128xi32, #tpu.memory_space<vmem>>) semaphore(%run_scoped3A : memref<!tpu.dma_semaphore, #tpu.memory_space<semaphore_mem>>) {add = true}
      %dma_wait3A_124 = arith.constant 4608 : i32
      %dma_wait3A_125 = tpu.memref_slice %arg7[%dma_wait3A_124] : memref<5000xi32, #tpu.memory_space<vmem>> -> memref<128xi32, #tpu.memory_space<vmem>>
      %dma_wait3A_126 = arith.constant 0 : i32
      %dma_wait3A_127 = arith.constant 0 : i32
      %dma_wait3A_128 = tpu.memref_slice %arg10[%dma_wait3A_126, %dma_wait3A_127] : memref<10240x128xf32, #tpu.memory_space<vmem_shared>> -> memref<10240x128xf32, #tpu.memory_space<vmem_shared>>
      tpu.wait_indirect_dma semaphore(%run_scoped3A : memref<!tpu.dma_semaphore, #tpu.memory_space<semaphore_mem>>) src(%arg8 : memref<128x128xf32, #tpu.memory_space<vmem>>) dst(%dma_wait3A_128 : memref<10240x128xf32, #tpu.memory_space<vmem_shared>>)
      tpu.yield
    }) : () -> ()
    %dma_start3A_87 = arith.constant 4864 : i32
    %dma_start3A_88 = tpu.memref_slice %arg6[%dma_start3A_87] : memref<5000xi32, #tpu.memory_space<vmem>> -> memref<128xi32, #tpu.memory_space<vmem>>
    %dma_start3A_89 = arith.constant 0 : i32
    %dma_start3A_90 = arith.constant 0 : i32
    %dma_start3A_91 = tpu.memref_slice %arg3[%dma_start3A_89, %dma_start3A_90] : memref<10000x128xf32, #tpu.memory_space<hbm>> -> memref<10000x128xf32, #tpu.memory_space<hbm>>
    tpu.enqueue_indirect_dma source(%dma_start3A_91 : memref<10000x128xf32, #tpu.memory_space<hbm>>) target(%arg8 : memref<128x128xf32, #tpu.memory_space<vmem>>) offsets(%dma_start3A_88 : memref<128xi32, #tpu.memory_space<vmem>>) semaphore(%arg11 : memref<!tpu.dma_semaphore, #tpu.memory_space<semaphore_mem>>)
    %dma_wait3A_92 = arith.constant 0 : i32
    %dma_wait3A_93 = tpu.memref_slice %arg6[%dma_wait3A_92] : memref<5000xi32, #tpu.memory_space<vmem>> -> memref<128xi32, #tpu.memory_space<vmem>>
    %dma_wait3A_94 = arith.constant 0 : i32
    %dma_wait3A_95 = arith.constant 0 : i32
    %dma_wait3A_96 = tpu.memref_slice %arg3[%dma_wait3A_94, %dma_wait3A_95] : memref<10000x128xf32, #tpu.memory_space<hbm>> -> memref<10000x128xf32, #tpu.memory_space<hbm>>
    tpu.wait_indirect_dma semaphore(%arg12 : memref<!tpu.dma_semaphore, #tpu.memory_space<semaphore_mem>>) src(%dma_wait3A_96 : memref<10000x128xf32, #tpu.memory_space<hbm>>) dst(%arg9 : memref<128x128xf32, #tpu.memory_space<vmem>>)
    "tpu.region"() ({
      %run_scoped3A = tpu.sem_alloc : memref<!tpu.dma_semaphore, #tpu.memory_space<semaphore_mem>>
      %dma_start3A_119 = arith.constant 4736 : i32
      %dma_start3A_120 = tpu.memref_slice %arg7[%dma_start3A_119] : memref<5000xi32, #tpu.memory_space<vmem>> -> memref<128xi32, #tpu.memory_space<vmem>>
      %dma_start3A_121 = arith.constant 0 : i32
      %dma_start3A_122 = arith.constant 0 : i32
      %dma_start3A_123 = tpu.memref_slice %arg10[%dma_start3A_121, %dma_start3A_122] : memref<10240x128xf32, #tpu.memory_space<vmem_shared>> -> memref<10240x128xf32, #tpu.memory_space<vmem_shared>>
      tpu.enqueue_indirect_dma source(%arg9 : memref<128x128xf32, #tpu.memory_space<vmem>>) target(%dma_start3A_123 : memref<10240x128xf32, #tpu.memory_space<vmem_shared>>) offsets(%dma_start3A_120 : memref<128xi32, #tpu.memory_space<vmem>>) semaphore(%run_scoped3A : memref<!tpu.dma_semaphore, #tpu.memory_space<semaphore_mem>>) {add = true}
      %dma_wait3A_124 = arith.constant 4736 : i32
      %dma_wait3A_125 = tpu.memref_slice %arg7[%dma_wait3A_124] : memref<5000xi32, #tpu.memory_space<vmem>> -> memref<128xi32, #tpu.memory_space<vmem>>
      %dma_wait3A_126 = arith.constant 0 : i32
      %dma_wait3A_127 = arith.constant 0 : i32
      %dma_wait3A_128 = tpu.memref_slice %arg10[%dma_wait3A_126, %dma_wait3A_127] : memref<10240x128xf32, #tpu.memory_space<vmem_shared>> -> memref<10240x128xf32, #tpu.memory_space<vmem_shared>>
      tpu.wait_indirect_dma semaphore(%run_scoped3A : memref<!tpu.dma_semaphore, #tpu.memory_space<semaphore_mem>>) src(%arg9 : memref<128x128xf32, #tpu.memory_space<vmem>>) dst(%dma_wait3A_128 : memref<10240x128xf32, #tpu.memory_space<vmem_shared>>)
      tpu.yield
    }) : () -> ()
    %dma_wait3A_97 = arith.constant 0 : i32
    %dma_wait3A_98 = tpu.memref_slice %arg6[%dma_wait3A_97] : memref<5000xi32, #tpu.memory_space<vmem>> -> memref<128xi32, #tpu.memory_space<vmem>>
    %dma_wait3A_99 = arith.constant 0 : i32
    %dma_wait3A_100 = arith.constant 0 : i32
    %dma_wait3A_101 = tpu.memref_slice %arg3[%dma_wait3A_99, %dma_wait3A_100] : memref<10000x128xf32, #tpu.memory_space<hbm>> -> memref<10000x128xf32, #tpu.memory_space<hbm>>
    tpu.wait_indirect_dma semaphore(%arg11 : memref<!tpu.dma_semaphore, #tpu.memory_space<semaphore_mem>>) src(%dma_wait3A_101 : memref<10000x128xf32, #tpu.memory_space<hbm>>) dst(%arg8 : memref<128x128xf32, #tpu.memory_space<vmem>>)
    "tpu.region"() ({
      %run_scoped3A = tpu.sem_alloc : memref<!tpu.dma_semaphore, #tpu.memory_space<semaphore_mem>>
      %dma_start3A_119 = arith.constant 4864 : i32
      %dma_start3A_120 = tpu.memref_slice %arg7[%dma_start3A_119] : memref<5000xi32, #tpu.memory_space<vmem>> -> memref<128xi32, #tpu.memory_space<vmem>>
      %dma_start3A_121 = arith.constant 0 : i32
      %dma_start3A_122 = arith.constant 0 : i32
      %dma_start3A_123 = tpu.memref_slice %arg10[%dma_start3A_121, %dma_start3A_122] : memref<10240x128xf32, #tpu.memory_space<vmem_shared>> -> memref<10240x128xf32, #tpu.memory_space<vmem_shared>>
      tpu.enqueue_indirect_dma source(%arg8 : memref<128x128xf32, #tpu.memory_space<vmem>>) target(%dma_start3A_123 : memref<10240x128xf32, #tpu.memory_space<vmem_shared>>) offsets(%dma_start3A_120 : memref<128xi32, #tpu.memory_space<vmem>>) semaphore(%run_scoped3A : memref<!tpu.dma_semaphore, #tpu.memory_space<semaphore_mem>>) {add = true}
      %dma_wait3A_124 = arith.constant 4864 : i32
      %dma_wait3A_125 = tpu.memref_slice %arg7[%dma_wait3A_124] : memref<5000xi32, #tpu.memory_space<vmem>> -> memref<128xi32, #tpu.memory_space<vmem>>
      %dma_wait3A_126 = arith.constant 0 : i32
      %dma_wait3A_127 = arith.constant 0 : i32
      %dma_wait3A_128 = tpu.memref_slice %arg10[%dma_wait3A_126, %dma_wait3A_127] : memref<10240x128xf32, #tpu.memory_space<vmem_shared>> -> memref<10240x128xf32, #tpu.memory_space<vmem_shared>>
      tpu.wait_indirect_dma semaphore(%run_scoped3A : memref<!tpu.dma_semaphore, #tpu.memory_space<semaphore_mem>>) src(%arg8 : memref<128x128xf32, #tpu.memory_space<vmem>>) dst(%dma_wait3A_128 : memref<10240x128xf32, #tpu.memory_space<vmem_shared>>)
      tpu.yield
    }) : () -> ()
    %dma_start3A_102 = arith.constant 0 : i32
    %dma_start3A_103 = arith.constant 0 : i32
    %dma_start3A_104 = tpu.memref_slice %arg8[%dma_start3A_102, %dma_start3A_103] : memref<128x128xf32, #tpu.memory_space<vmem>> -> memref<8x128xf32, #tpu.memory_space<vmem>>
    %dma_start3A_105 = arith.constant 4992 : i32
    %dma_start3A_106 = tpu.memref_slice %arg6[%dma_start3A_105] : memref<5000xi32, #tpu.memory_space<vmem>> -> memref<8xi32, #tpu.memory_space<vmem>>
    %dma_start3A_107 = arith.constant 0 : i32
    %dma_start3A_108 = arith.constant 0 : i32
    %dma_start3A_109 = tpu.memref_slice %arg3[%dma_start3A_107, %dma_start3A_108] : memref<10000x128xf32, #tpu.memory_space<hbm>> -> memref<10000x128xf32, #tpu.memory_space<hbm>>
    tpu.enqueue_indirect_dma source(%dma_start3A_109 : memref<10000x128xf32, #tpu.memory_space<hbm>>) target(%dma_start3A_104 : memref<8x128xf32, #tpu.memory_space<vmem>>) offsets(%dma_start3A_106 : memref<8xi32, #tpu.memory_space<vmem>>) semaphore(%arg11 : memref<!tpu.dma_semaphore, #tpu.memory_space<semaphore_mem>>)
    %dma_wait3A_110 = arith.constant 0 : i32
    %dma_wait3A_111 = arith.constant 0 : i32
    %dma_wait3A_112 = tpu.memref_slice %arg8[%dma_wait3A_110, %dma_wait3A_111] : memref<128x128xf32, #tpu.memory_space<vmem>> -> memref<8x128xf32, #tpu.memory_space<vmem>>
    %dma_wait3A_113 = arith.constant 4992 : i32
    %dma_wait3A_114 = tpu.memref_slice %arg6[%dma_wait3A_113] : memref<5000xi32, #tpu.memory_space<vmem>> -> memref<8xi32, #tpu.memory_space<vmem>>
    %dma_wait3A_115 = arith.constant 0 : i32
    %dma_wait3A_116 = arith.constant 0 : i32
    %dma_wait3A_117 = tpu.memref_slice %arg3[%dma_wait3A_115, %dma_wait3A_116] : memref<10000x128xf32, #tpu.memory_space<hbm>> -> memref<10000x128xf32, #tpu.memory_space<hbm>>
    tpu.wait_indirect_dma semaphore(%arg11 : memref<!tpu.dma_semaphore, #tpu.memory_space<semaphore_mem>>) src(%dma_wait3A_117 : memref<10000x128xf32, #tpu.memory_space<hbm>>) dst(%dma_wait3A_112 : memref<8x128xf32, #tpu.memory_space<vmem>>)
    "tpu.region"() ({
      %run_scoped3A = tpu.sem_alloc : memref<!tpu.dma_semaphore, #tpu.memory_space<semaphore_mem>>
      %dma_start3A_119 = arith.constant 0 : i32
      %dma_start3A_120 = arith.constant 0 : i32
      %dma_start3A_121 = tpu.memref_slice %arg8[%dma_start3A_119, %dma_start3A_120] : memref<128x128xf32, #tpu.memory_space<vmem>> -> memref<8x128xf32, #tpu.memory_space<vmem>>
      %dma_start3A_122 = arith.constant 4992 : i32
      %dma_start3A_123 = tpu.memref_slice %arg7[%dma_start3A_122] : memref<5000xi32, #tpu.memory_space<vmem>> -> memref<8xi32, #tpu.memory_space<vmem>>
      %dma_start3A_124 = arith.constant 0 : i32
      %dma_start3A_125 = arith.constant 0 : i32
      %dma_start3A_126 = tpu.memref_slice %arg10[%dma_start3A_124, %dma_start3A_125] : memref<10240x128xf32, #tpu.memory_space<vmem_shared>> -> memref<10240x128xf32, #tpu.memory_space<vmem_shared>>
      tpu.enqueue_indirect_dma source(%dma_start3A_121 : memref<8x128xf32, #tpu.memory_space<vmem>>) target(%dma_start3A_126 : memref<10240x128xf32, #tpu.memory_space<vmem_shared>>) offsets(%dma_start3A_123 : memref<8xi32, #tpu.memory_space<vmem>>) semaphore(%run_scoped3A : memref<!tpu.dma_semaphore, #tpu.memory_space<semaphore_mem>>) {add = true}
      %dma_wait3A_127 = arith.constant 0 : i32
      %dma_wait3A_128 = arith.constant 0 : i32
      %dma_wait3A_129 = tpu.memref_slice %arg8[%dma_wait3A_127, %dma_wait3A_128] : memref<128x128xf32, #tpu.memory_space<vmem>> -> memref<8x128xf32, #tpu.memory_space<vmem>>
      %dma_wait3A_130 = arith.constant 4992 : i32
      %dma_wait3A_131 = tpu.memref_slice %arg7[%dma_wait3A_130] : memref<5000xi32, #tpu.memory_space<vmem>> -> memref<8xi32, #tpu.memory_space<vmem>>
      %dma_wait3A_132 = arith.constant 0 : i32
      %dma_wait3A_133 = arith.constant 0 : i32
      %dma_wait3A_134 = tpu.memref_slice %arg10[%dma_wait3A_132, %dma_wait3A_133] : memref<10240x128xf32, #tpu.memory_space<vmem_shared>> -> memref<10240x128xf32, #tpu.memory_space<vmem_shared>>
      tpu.wait_indirect_dma semaphore(%run_scoped3A : memref<!tpu.dma_semaphore, #tpu.memory_space<semaphore_mem>>) src(%dma_wait3A_129 : memref<8x128xf32, #tpu.memory_space<vmem>>) dst(%dma_wait3A_134 : memref<10240x128xf32, #tpu.memory_space<vmem_shared>>)
      tpu.yield
    }) : () -> ()
    %barrier3A_118 = arith.constant 0 : index
    tpu.barrier barrier_id(%barrier3A_118)
    "tpu.region"() ({
      %run_scoped3A = tpu.sem_alloc : memref<!tpu.dma_semaphore, #tpu.memory_space<semaphore_mem>>
      %dma_start3A_119 = arith.constant 0 : i32
      %dma_start3A_120 = tpu.memref_slice %arg5[%arg0, %mul3A_2, %dma_start3A_119] : memref<2x10240x128xf32, #tpu.memory_space<hbm>> -> memref<1x640x128xf32, #tpu.memory_space<hbm>>
      %dma_start3A_121 = tpu.memref_squeeze %dma_start3A_120 : memref<1x640x128xf32, #tpu.memory_space<hbm>> -> memref<640x128xf32, #tpu.memory_space<hbm>>
      %dma_start3A_122 = arith.constant 0 : i32
      %dma_start3A_123 = tpu.memref_slice %arg10[%mul3A_2, %dma_start3A_122] : memref<10240x128xf32, #tpu.memory_space<vmem_shared>> -> memref<640x128xf32, #tpu.memory_space<vmem_shared>>
      tpu.enqueue_dma source(%dma_start3A_123 : memref<640x128xf32, #tpu.memory_space<vmem_shared>>) target(%dma_start3A_121 : memref<640x128xf32, #tpu.memory_space<hbm>>) target_semaphore(%run_scoped3A : memref<!tpu.dma_semaphore, #tpu.memory_space<semaphore_mem>>)
      %dma_wait3A_124 = arith.constant 0 : i32
      %dma_wait3A_125 = tpu.memref_slice %arg5[%arg0, %mul3A_2, %dma_wait3A_124] : memref<2x10240x128xf32, #tpu.memory_space<hbm>> -> memref<1x640x128xf32, #tpu.memory_space<hbm>>
      %dma_wait3A_126 = tpu.memref_squeeze %dma_wait3A_125 : memref<1x640x128xf32, #tpu.memory_space<hbm>> -> memref<640x128xf32, #tpu.memory_space<hbm>>
      %dma_wait3A_127 = arith.constant 0 : i32
      %dma_wait3A_128 = tpu.memref_slice %arg10[%mul3A_2, %dma_wait3A_127] : memref<10240x128xf32, #tpu.memory_space<vmem_shared>> -> memref<640x128xf32, #tpu.memory_space<vmem_shared>>
      tpu.wait_dma2 semaphore(%run_scoped3A : memref<!tpu.dma_semaphore, #tpu.memory_space<semaphore_mem>>) src(%dma_wait3A_128 : memref<640x128xf32, #tpu.memory_space<vmem_shared>>) dst(%dma_wait3A_126 : memref<640x128xf32, #tpu.memory_space<hbm>>)
      tpu.yield
    }) : () -> ()
    return
  }
}

module attributes {stable_mosaic.version = 14 : i64} {
  func.func @_fin_body(%arg0: i32, %arg1: memref<2x2000x128xf32, #tpu.memory_space<vmem>>, %arg2: memref<128x128xf32, #tpu.memory_space<vmem>>, %arg3: memref<1x128xf32, #tpu.memory_space<vmem>>, %arg4: memref<2000x128xf32, #tpu.memory_space<vmem>>) attributes {dimension_semantics = [#tpu.dimension_semantics<arbitrary>], iteration_bounds = array<i64: 5>, scalar_prefetch = 0 : i64, scratch_operands = 0 : i64, tpu.core_type = #tpu.core_type<tc>, window_params = [{transform_indices = @transform_0, window_bounds = array<i64: 2, 2000, 128>}, {pipeline_mode = #tpu.pipeline_mode<synchronous>, transform_indices = @transform_1, window_bounds = array<i64: 128, 128>}, {pipeline_mode = #tpu.pipeline_mode<synchronous>, transform_indices = @transform_2, window_bounds = array<i64: 1, 128>}, {transform_indices = @transform_3, window_bounds = array<i64: 2000, 128>}]} {
    %get3A = arith.constant 0 : index
    %get3A_0 = arith.constant 0 : index
    %get3A_1 = arith.constant 0 : index
    %get3A_2 = vector.load %arg1[%get3A, %get3A_0, %get3A_1] : memref<2x2000x128xf32, #tpu.memory_space<vmem>>, vector<1x2000x128xf32>
    %get3A_3 = vector.shape_cast %get3A_2 : vector<1x2000x128xf32> to vector<2000x128xf32>
    %get3A_4 = arith.constant 1 : index
    %get3A_5 = arith.constant 0 : index
    %get3A_6 = arith.constant 0 : index
    %get3A_7 = vector.load %arg1[%get3A_4, %get3A_5, %get3A_6] : memref<2x2000x128xf32, #tpu.memory_space<vmem>>, vector<1x2000x128xf32>
    %get3A_8 = vector.shape_cast %get3A_7 : vector<1x2000x128xf32> to vector<2000x128xf32>
    %add3A = arith.addf %get3A_3, %get3A_8 : vector<2000x128xf32>
    %get3A_9 = arith.constant 0 : index
    %get3A_10 = arith.constant 0 : index
    %get3A_11 = vector.load %arg2[%get3A_9, %get3A_10] : memref<128x128xf32, #tpu.memory_space<vmem>>, vector<128x128xf32>
    %dot_general3A = arith.constant dense<0.000000e+00> : vector<2000x128xf32>
    %dot_general3A_12 = tpu.matmul %add3A, %get3A_11, %dot_general3A {dimension_numbers = #tpu.dot_dimension_numbers<[1], [0], [0], [1], [0, 0, 1, 1], [], []>, transpose_lhs_hint = false} : vector<2000x128xf32>, vector<128x128xf32>, vector<2000x128xf32> -> vector<2000x128xf32>
    %get3A_13 = arith.constant 0 : index
    %get3A_14 = arith.constant 0 : index
    %get3A_15 = vector.load %arg3[%get3A_13, %get3A_14] : memref<1x128xf32, #tpu.memory_space<vmem>>, vector<1x128xf32>
    %add3A_16 = vector.broadcast %get3A_15 : vector<1x128xf32> to vector<2000x128xf32>
    %add3A_17 = arith.addf %dot_general3A_12, %add3A_16 : vector<2000x128xf32>
    %max3A = arith.constant 0.000000e+00 : f32
    %max3A_18 = vector.broadcast %max3A : f32 to vector<2000x128xf32>
    %max3A_19 = arith.maximumf %add3A_17, %max3A_18 : vector<2000x128xf32>
    %swap3A = arith.constant 0 : index
    %swap3A_20 = arith.constant 0 : index
    %swap3A_21 = vector.load %arg4[%swap3A, %swap3A_20] : memref<2000x128xf32, #tpu.memory_space<vmem>>, vector<2000x128xf32>
    tpu.vector_store %arg4[%swap3A, %swap3A_20], %max3A_19 {strides = array<i32>} : memref<2000x128xf32, #tpu.memory_space<vmem>>, vector<2000x128xf32>,
    return
  }
  func.func @transform_0(%arg0: i32) -> (i32, i32, i32) {
    %c0_i32 = arith.constant 0 : i32
    %c0_i32_0 = arith.constant 0 : i32
    %c0_i32_1 = arith.constant 0 : i32
    return %c0_i32, %arg0, %c0_i32_0 : i32, i32, i32
  }
  func.func @transform_1(%arg0: i32) -> (i32, i32) {
    %c0_i32 = arith.constant 0 : i32
    %c0_i32_0 = arith.constant 0 : i32
    %c0_i32_1 = arith.constant 0 : i32
    return %c0_i32, %c0_i32_0 : i32, i32
  }
  func.func @transform_2(%arg0: i32) -> (i32, i32) {
    %c0_i32 = arith.constant 0 : i32
    %c0_i32_0 = arith.constant 0 : i32
    %c0_i32_1 = arith.constant 0 : i32
    return %c0_i32, %c0_i32_0 : i32, i32
  }
  func.func @transform_3(%arg0: i32) -> (i32, i32) {
    %c0_i32 = arith.constant 0 : i32
    %c0_i32_0 = arith.constant 0 : i32
    return %arg0, %c0_i32 : i32, i32
  }
}

</mosaic_0001>

<sc_bundles>
// kernel: kernel.4.cloned.1.call-start
scs
__scs_entry_jumppad:
0x0: {  	(pc) =	sbr.rel $0x88, $3  }
0x1: {  	(tag) =	ssettag $0x0;
	lr =	simm.s32 $0x1  }
0x2: {  	[smem:$0x3F9D] =	sst lr;
	_ =	strace $0xD0000000  }
0x3: {  	_ = 	snop  }
0x4: {  	_ = 	snop  }
0x5: {  	_ = 	snop  }
0x6: {  	_ = 	snop  }
0x7: {  	_ = 	snop  }
__scs_overlays_trampoline_lowered:
0x8: {  	[smem:$0x3FAC] =	sst s0  }
0x9: {  	[smem:$0x3FAD] =	sst s1  }
0xa: {  	[smem:$0x3FAE] =	sst s2  }
0xb: {  	[smem:$0x3FAF] =	sst s3  }
0xc: {  	[smem:$0x3FB0] =	sst s4  }
0xd: {  	[smem:$0x3FB1] =	sst s5  }
0xe: {  	[smem:$0x3FB2] =	sst s6  }
0xf: {  	[smem:$0x3FB3] =	sst s7  }
0x10: {  	[smem:$0x3FB4] =	sst s8  }
0x11: {  	[smem:$0x3FB5] =	sst s9;
	s0 =	simm.s32 @!p0 $0x0  }
0x12: {  	s1 =	sld [smem:$0x3F9B];
	s0 =	simm.s32 @p0 $0x1  }
0x13: {  	[smem:$0x3FB6] =	sst s0;
	s0 =	simm.s32 @!p1 $0x0  }
0x14: {  	s2 =	sld [smem:$0x3F9A];
	s0 =	simm.s32 @p1 $0x1  }
0x15: {  	[smem:$0x3FB7] =	sst s0;
	s0 =	simm.s32 @!p2 $0x0  }
0x16: {  	s3 =	sld [smem:$0x3FDB];
	s0 =	simm.s32 @p2 $0x1  }
0x17: {  	s4 =	simm.s32 $0x1BF5;
	[smem:$0x3FB9] =	sst s0  }
0x18: {  	s0 =	sld [smem:$0x3F9C];
	_ =	swait.ge [sflag:s4], $0x0  }
0x19: {  	s7 =	sld [smem:$0x3F9D]  }
0x1a: {  	s8 =	sadd.s32 $0xFFFFE003, lr  }
0x1b: {  	s9 =	sadd.s32 $0xFFFFFEF7, lr;
	s5 =	simm.s32 $0xFFFFFFFF;
	p2 =	slt.u32 s8, $0xFFFFF086  }
0x1c: {  	p1 =	slt.u32 s9, $0xF7A;
	s5 =	simm.s32 @!p2 $0x0  }
0x1d: {  	s5 =	simm.s32 @p1 $0x1;
	p0 =	seq.s32 s7, s2  }
0x1e: {  	s7 =	smul.u32 @!p0 $0xF7A, s2;
	p2 =	seq.s32 @!p0 s5, $0x0  }
0x1f: {  	s9 =	smul.u32 $0xF7A, s1;
	s8 =	simm.s32 @!p0 $0x1BF5;
	p2 =	por !p2, p0  }
0x20: {  	[sflag:s8] =	ssyncset.s32 @!p0 $0xFFFFF086;
	s6 =	sadd.s32 @!p0 s3, s7;
	s7 =	simm.s32 @!p0 $0x108  }
0x21: {  	s3 =	sadd.s32 s3, s9;
	s6 =	sadd.s32 @!p0 $0x88, s6;
	s7 =	simm.s32 @p2 $0x1082  }
0x22: {  	[simem:s7], [sflag:s8] =	dma.local @!p0 [hbm:s6], $0xF7A  }
0x23: {  	s9 =	sor.u32 $0xD0000000, s2;
	s6 =	simm.s32 $0x108;
	_ =	swait.ge @!p0 [sflag:s8], $0x0  }
0x24: {  	s3 =	sadd.s32 $0x88, s3;
	s6 =	simm.s32 @!p1 $0x1082;
	[sflag:s4] =	ssyncset.s32 $0xFFFFF086  }
0x25: {  	[simem:s6], [sflag:s4] =	dma.local [hbm:s3], $0xF7A  }
0x26: {  	[smem:$0x3F9D] =	sst s1;
	(tag) =	ssettag s2;
	_ =	strace s9  }
0x27: {  	s1 =	sld [smem:$0x3FAD]  }
0x28: {  	s2 =	sld [smem:$0x3FAE]  }
0x29: {  	s4 =	sld [smem:$0x3FB0]  }
0x2a: {  	p0 =	seq.s32 s5, $0x0;
	s5 =	sld [smem:$0x3FB1]  }
0x2b: {  	s6 =	sld [smem:$0x3FB2]  }
0x2c: {  	s7 =	sld [smem:$0x3FB3]  }
0x2d: {  	s3 =	simm.s32 $0x108;
	s8 =	sld [smem:$0x3FB4]  }
0x2e: {  	s3 =	simm.s32 @!p0 $0x1082;
	s9 =	sld [smem:$0x3FB5]  }
0x2f: {  	lr =	sadd.s32 s0, s3;
	s0 =	sld [smem:$0x3FAC]  }
0x30: {  	s3 =	sld [smem:$0x3FAF]  }
0x31: {  	[smem:$0x3FB8] =	sst s10  }
0x32: {  	s10 =	sld [smem:$0x3FB6];
	_ =	sdelay $0x3  }
0x33: {  	p0 =	seq.s32 s10, $0x1;
	s10 =	sld [smem:$0x3FB8];
	_ =	sdelay $0x3  }
0x34: {  	[smem:$0x3FB8] =	sst s10  }
0x35: {  	s10 =	sld [smem:$0x3FB7];
	_ =	sdelay $0x3  }
0x36: {  	p1 =	seq.s32 s10, $0x1;
	s10 =	sld [smem:$0x3FB8];
	_ =	sdelay $0x3  }
0x37: {  	[smem:$0x3FB8] =	sst s10  }
0x38: {  	s10 =	sld [smem:$0x3FB9]  }
0x39: {  	_ = 	snop;
	(pc) =	sbr.ind lr, $3  }
0x3a: {  	_ = 	snop  }
0x3b: {  	_ = 	snop  }
0x3c: {  	p2 =	seq.s32 s10, $0x1;
	s10 =	sld [smem:$0x3FB8]  }
0x3d: {  	_ =	shalt  }
0x3e: {  	_ =	shalt  }
0x3f: {  	_ =	shalt  }
0x40: {  	_ =	shalt  }
0x41: {  	_ =	shalt  }
0x42: {  	_ =	shalt  }
0x43: {  	_ =	shalt  }
0x44: {  	_ =	shalt  }
0x45: {  	_ =	shalt  }
0x46: {  	_ =	shalt  }
0x47: {  	_ =	shalt  }
0x48: {  	_ =	shalt  }
0x49: {  	_ =	shalt  }
0x4a: {  	_ =	shalt  }
0x4b: {  	_ =	shalt  }
0x4c: {  	_ =	shalt  }
0x4d: {  	_ =	shalt  }
0x4e: {  	_ =	shalt  }
0x4f: {  	_ =	shalt  }
0x50: {  	_ =	shalt  }
0x51: {  	_ =	shalt  }
0x52: {  	_ =	shalt  }
0x53: {  	_ =	shalt  }
0x54: {  	_ =	shalt  }
0x55: {  	_ =	shalt  }
0x56: {  	_ =	shalt  }
0x57: {  	_ =	shalt  }
0x58: {  	_ =	shalt  }
0x59: {  	_ =	shalt  }
0x5a: {  	_ =	shalt  }
0x5b: {  	_ =	shalt  }
0x5c: {  	_ =	shalt  }
0x5d: {  	_ =	shalt  }
0x5e: {  	_ =	shalt  }
0x5f: {  	_ =	shalt  }
0x60: {  	_ =	shalt  }
0x61: {  	_ =	shalt  }
0x62: {  	_ =	shalt  }
0x63: {  	_ =	shalt  }
0x64: {  	_ =	shalt  }
0x65: {  	_ =	shalt  }
0x66: {  	_ =	shalt  }
0x67: {  	_ =	shalt  }
0x68: {  	_ =	shalt  }
0x69: {  	_ =	shalt  }
0x6a: {  	_ =	shalt  }
0x6b: {  	_ =	shalt  }
0x6c: {  	_ =	shalt  }
0x6d: {  	_ =	shalt  }
0x6e: {  	_ =	shalt  }
0x6f: {  	_ =	shalt  }
0x70: {  	_ =	shalt  }
0x71: {  	_ =	shalt  }
0x72: {  	_ =	shalt  }
0x73: {  	_ =	shalt  }
0x74: {  	_ =	shalt  }
0x75: {  	_ =	shalt  }
0x76: {  	_ =	shalt  }
0x77: {  	_ =	shalt  }
0x78: {  	_ =	shalt  }
0x79: {  	_ =	shalt  }
0x7a: {  	_ =	shalt  }
0x7b: {  	_ =	shalt  }
0x7c: {  	_ =	shalt  }
0x7d: {  	_ =	shalt  }
0x7e: {  	_ =	shalt  }
0x7f: {  	_ =	shalt  }
0x80: {  	_ =	shalt  }
0x81: {  	_ =	shalt  }
0x82: {  	_ =	shalt  }
0x83: {  	_ =	shalt  }
0x84: {  	_ =	shalt  }
0x85: {  	_ =	shalt  }
0x86: {  	_ =	shalt  }
0x87: {  	_ =	shalt  }
.Lfunc_end0:
.L_simem_size_0:
called_computation_lowered:
.L_overlay_start_0:
0x88: {  	s2 =	sld [smem:$0x3FD9]  }
0x89: {  	s3 =	sld [smem:$0x3FFE];
	_ =	sdelay $0x1  }
0x8a: {  	s1 =	srdreg.scid  }
0x8b: {  	s0 =	sand.u32 $0x1, s1  }
0x8c: {  	s17 =	sshll.u32 s0, $0xA;
	s2 =	sadd.s32 s3, s2  }
0x8d: {  	s2 =	sadd.s32 s2, s17  }
0x8e: {  	[smem:$0x3FC4] =	sst s2  }
0x8f: {  	_ = 	snop  }
0x90: {  	s2 =	sld [smem:$0x3FC9]  }
0x91: {  	s18 =	sld [smem:$0x3FD0];
	(tm) =	ssettm $0x1  }
0x92: {  	s4 =	sld [smem:$0x3FFB];
	_ =	sdelay $0x3  }
0x93: {  	_ =	strace s4  }
0x94: {  	s4 =	sld [smem:$0x3FFC];
	_ =	sdelay $0x3  }
0x95: {  	_ =	strace s4  }
0x96: {  	s4 =	sld [smem:$0x3FFD];
	_ =	sdelay $0x3  }
0x97: {  	_ =	strace s4  }
0x98: {  	_ =	strace $0x8FFFFFFF  }
0x99: {  	s19 =	sld [smem:$0x3FDB];
	_ =	sdelay $0x1  }
0x9a: {  	s5 =	simm.s32 $_scs_section_size  }
0x9b: {  	s6 =	simm.s32 $_size__tile_overlayer_lowered;
	s7 =	simm.s32 $_tile_overlayer_lowered  }
0x9c: {  	s22 =	simm.s32 $0x1BFF;
	s21 =	sshll.u32 s7, $0x1;
	s4 =	sadd.s32 s5, s19  }
0x9d: {  	s8 =	simm.s32 $0x0;
	s20 =	sshll.u32 s6, $0x1;
	s6 =	sadd.s32 s21, s4  }
0x9e: {  	[timem:s8], [sflag:s22] =	dma.local [hbm:s6], s20  }
0x9f: {  	_ =	swait.ge [sflag:s22], s20  }
0xa0: {  	s5 =	ssub.s32 $0x0, s20;
	[sflag:s22] =	ssyncset.done $0x0  }
0xa1: {  	[sflag:s22] =	ssyncadd.s32 s5;
	_ =	sdelay $0x1  }
0xa2: {  	s23 =	simm.s32 $0x1B8B  }
0xa3: {  	_ =	swait.ge [sflag:s23], $0x1  }
0xa4: {  	[sflag:s23] =	ssyncset.done $0x0  }
0xa5: {  	s25 =	simm.s32 $0x1B8E;
	s24 =	sld [smem:$0x3FFE];
	[sflag:s23] =	ssyncadd.s32 $0xFFFFFFFF  }
0xa6: {  	s26 =	simm.s32 $execute0_lowered;
	[smem:$0x3FD2] =	sst s25  }
0xa7: {  	s6 =	sshll.u32 s26, $0x1;
	_ =	strace $0x80000046;
	[dreg:$0x1] =	wrdreg $0xFFFFFFFF  }
0xa8: {  	s28 =	simm.s32 $_size_execute0_lowered;
	s4 =	sadd.s32 s4, s6;
	[dreg:$0x0] =	wrdreg $0x0  }
0xa9: {  	s6 =	sshll.u32 s28, $0x1;
	[dreg:$0x2] =	wrdreg s4  }
0xaa: {  	[dreg:$0x3] =	wrdreg s6  }
0xab: {  	[dreg:$0x4] =	wrdreg $0xC0  }
0xac: {  	_ =	task [dreg:s8], $0x5FFFF  }
0xad: {  	[dreg:$0x1] =	wrdreg $0xFFFFFFFF  }
0xae: {  	[dreg:$0x0] =	wrdreg $0x60  }
0xaf: {  	[dreg:$0x2] =	wrdreg s18  }
0xb0: {  	[dreg:$0x3] =	wrdreg s2  }
0xb1: {  	[dreg:$0x4] =	wrdreg s24  }
0xb2: {  	[dreg:$0x5] =	wrdreg $0xA8000  }
0xb3: {  	[dreg:$0x6] =	wrdreg $0x9  }
0xb4: {  	_ =	task.clear_ibuf [dreg:s8], $0x7FFFF;
	_ =	strace $0x90000046  }
0xb5: {  	s29 =	simm.s32 $0x9;
	_ =	strace $0x80000048  }
0xb6: {  	_ =	swait.ge [sflag:s29], $0x1  }
0xb7: {  	[sflag:s29] =	ssyncadd.s32 $0xFFFFFFFF  }
0xb8: {  	_ =	strace $0x90000048  }
0xb9: {  	_ =	sfence  }
0xba: {  	s30 =	sld [smem:$0x0];
	_ =	sdelay $0x2  }
0xbb: {  	s31 =	sshll.u32 s1, $0xD;
	s1 =	sshrl.u32 s1, $0x2  }
0xbc: {  	s3 =	sand.u32 $0x4000, s31;
	s1 =	sadd.s32 s1, s30  }
0xbd: {  	s0 =	sor.u32 s3, s0;
	s1 =	sshll.u32 s1, $0x11  }
0xbe: {  	s0 =	sor.u32 s1, s0  }
0xbf: {  	s0 =	sadd.s32 $0x8F2B, s0  }
0xc0: {  	[sflag:s0] =	ssyncadd.remote.s32 $0x1  }
0xc1: {  	_ =	sfence.sel $0xFFFF  }
0xc2: {  	[dreg:$0x0] =	wrdreg $0xFFFFFFFF;
	(pc) =	sbr.abs _section_cstart, $3  }
0xc3: {  	[dreg:$0x1] =	wrdreg $0xFFFFFFFF  }
0xc4: {  	_ =	task.clear_ibuf [dreg:s8], $0x2FFFF;
	_ =	strace $0x9FFFFFFF  }
0xc5: {  	(tm) =	ssettm $0x7FFFFFFF  }
tec
execute0_lowered:
.L_overlay_start_1:
0x0: {  	(tag) =	ssettag $0x1  }
0x1: {  	s1 =	rddreg [dreg:$0x0]  }
0x2: {  	s0 =	rddreg [dreg:$0x1]  }
0x3: {  	s2 =	rddreg [dreg:$0x2]  }
0x4: {  	s4 =	srdreg.scid;
	s3 =	rddreg [dreg:$0x3]  }
0x5: {  	s11 =	stileid.u32;
	s15 =	simm.s32 $0x4;
	s16 =	simm.s32 $0x1400  }
0x6: {  	s17 =	simm.s32 $0x3;
	s18 =	simm.s32 $0x80;
	s19 =	simm.s32 $0x2800  }
0x7: {  	s20 =	simm.s32 $0x6800;
	s21 =	simm.s32 $0x1;
	s22 =	simm.s32 $0x2  }
0x8: {  	s28 =	simm.s32 $0x8;
	s29 =	simm.s32 $0x1380;
	s30 =	simm.s32 $0x2780  }
0x9: {  	s31 =	simm.s32 $0x0;
	s6 =	sand.u32 $0x1, s4;
	s7 =	smul.u32 $0x14000, s11  }
0xa: {  	s4 =	simm.s32 $0x0;
	s23 =	sadd.s32 $0xA00, s2;
	s9 =	smul.u32 $0x50000, s11  }
0xb: {  	s5 =	smul.u32 $0x140000, s6;
	[smem:$0x7FF] =	sst s4;
	s8 =	sshll.u32 s6, $0x4  }
0xc: {  	s6 =	ssub.s32 $0x2, s6;
	_ =	strace $0x80000047;
	[dreg:$0x5] =	wrdreg s23  }
0xd: {  	s8 =	sor.u32 s11, s8;
	s24 =	sshrl.u32 s6, $0x1;
	s25 =	sshrl.u32 s9, $0x2  }
0xe: {  	s23 =	simm.s32 $0x2600;
	s7 =	sadd.s32 s7, s5;
	s10 =	smul.u32 $0x2710, s8  }
0xf: {  	s13 =	ssub.s32 s6, s24;
	s6 =	sshll.u32 s11, $0x6;
	s14 =	sadd.s32 s25, s3  }
0x10: {  	s24 =	simm.s32 $0x1300;
	s25 =	simm.s32 $0x2680;
	s7 =	sshrl.u32 s7, $0x3  }
0x11: {  	s13 =	smax.u32 s13, $0x1;
	s14 =	sshrl.u32 s14, $0x3;
	s2 =	sadd.s32 s7, s2  }
0x12: {  	s7 =	sor.u32 $0x1C03, s6;
	s8 =	sshrl.u32 s10, $0x3;
	s26 =	sadd.s32 $0x1388, s10  }
0x13: {  	s10 =	sadd.s32 $0x4F588, s10;
	s8 =	sadd.s32 s1, s8;
	s11 =	sshrl.u32 s26, $0x3  }
0x14: {  	s12 =	sshrl.u32 s10, $0x3;
	s26 =	simm.s32 $0x2700;
	s9 =	sadd.s32 $0x9C40, s8  }
0x15: {  	s10 =	sadd.s32 s1, s11;
	s11 =	sadd.s32 s1, s12;
	s12 =	sadd.s32 $0x3200, s2  }
.LBB2_1:
0x16: {  	s1 =	rddreg [dreg:$0x5]  }
0x17: {  	[spmem:s14], [sflag:s7] =	dma.local [hbm:s1], $0x2800  }
0x18: {  	[tilespmem:s4], [sflag:$0x4] =	stream.linear.gather [hbm4b:s8+s4], $0x1388, $0x38;
	[tilespmem:$0x1E800] =	vst v63  }
0x19: {  	_ =	swait.ge [sflag:s15], $0x1388  }
0x1a: {  	[sflag:s15] =	ssyncset.done $0x0  }
0x1b: {  	[sflag:s15] =	ssyncadd.s32 $0xFFFFEC78  }
0x1c: {  	[tilespmem:s16], [sflag:$0x4] =	stream.linear.gather [hbm4b:s9+s4], $0x1388, $0x38;
	[tilespmem:$0x1E800] =	vst v63  }
0x1d: {  	_ =	swait.ge [sflag:s15], $0x1388  }
0x1e: {  	[sflag:s15] =	ssyncset.done $0x0  }
0x1f: {  	[sflag:s15] =	ssyncadd.s32 $0xFFFFEC78  }
0x20: {  	_ =	swait.ge [sflag:s17], $0x2800  }
0x21: {  	[sflag:s17] =	ssyncset.done $0x0  }
0x22: {  	[sflag:s17] =	ssyncadd.s32 $0xFFFFD800  }
0x23: {  	[bflag:$0x0] =	sbarrier.arrive $0xFFFF  }
0x24: {  	[tilespmem:s19], [sflag:$0x1] =	stream.indirect.gather [hbm4b:s0+s18], $0x80, s4, s18, $0xb8;
	[tilespmem:$0x1E800] =	vst v63  }
0x25: {  	_ = 	snop  }
0x26: {  	[tilespmem:s20], [sflag:$0x2] =	stream.indirect.gather [hbm4b:s0+s18], $0x80, s18, s18, $0xb8;
	[tilespmem:$0x1E800] =	vst v63  }
0x27: {  	_ =	swait.ge [sflag:s21], $0x4000  }
0x28: {  	[sflag:s21] =	ssyncset.done $0x0  }
0x29: {  	s5 =	simm.s32 $0x1400;
	[sflag:s21] =	ssyncadd.s32 $0xFFFFC000  }
0x2a: {  	[spmem:s3] =	stream.indirect.scatter.add.f32 [tilespmem:s19], [sflag:$0x4], $0x80, s5, s18, $0xb8;
	[tilespmem:$0x1E800] =	vst v63  }
0x2b: {  	_ =	swait.ge [sflag:s15], $0x4000  }
0x2c: {  	[sflag:s15] =	ssyncset.done $0x0  }
0x2d: {  	s2 =	simm.s32 $0x100;
	[sflag:s15] =	ssyncadd.s32 $0xFFFFC000  }
0x2e: {  	[tilespmem:s19], [sflag:$0x1] =	stream.indirect.gather [hbm4b:s0+s18], $0x80, s2, s18, $0xb8;
	[tilespmem:$0x1E800] =	vst v63  }
0x2f: {  	_ =	swait.ge [sflag:s22], $0x4000  }
0x30: {  	[sflag:s22] =	ssyncset.done $0x0  }
0x31: {  	s5 =	simm.s32 $0x1480;
	[sflag:s22] =	ssyncadd.s32 $0xFFFFC000  }
0x32: {  	[spmem:s3] =	stream.indirect.scatter.add.f32 [tilespmem:s20], [sflag:$0x4], $0x80, s5, s18, $0xb8;
	[tilespmem:$0x1E800] =	vst v63  }
0x33: {  	_ =	swait.ge [sflag:s15], $0x4000  }
0x34: {  	[sflag:s15] =	ssyncset.done $0x0  }
0x35: {  	s1 =	simm.s32 $0x400;
	s2 =	simm.s32 $0x180;
	[sflag:s15] =	ssyncadd.s32 $0xFFFFC000  }
.LBB2_2:
0x36: {  	[tilespmem:s20], [sflag:$0x2] =	stream.indirect.gather [hbm4b:s0+s18], $0x80, s2, s18, $0xb8;
	[tilespmem:$0x1E800] =	vst v63  }
0x37: {  	s2 =	smov.u32 s1  }
0x38: {  	p0 =	sne.s32 s1, $0x4400;
	s1 =	sadd.s32 $0x400, s1;
	_ =	swait.ge [sflag:s21], $0x4000  }
0x39: {  	s2 =	sshra.s32 s2, $0x2;
	[sflag:s21] =	ssyncset.done $0x0  }
0x3a: {  	s5 =	sadd.s32 $0x1400, s2;
	[sflag:s21] =	ssyncadd.s32 $0xFFFFC000  }
0x3b: {  	[spmem:s3] =	stream.indirect.scatter.add.f32 [tilespmem:s19], [sflag:$0x4], $0x80, s5, s18, $0xb8;
	[tilespmem:$0x1E800] =	vst v63  }
0x3c: {  	_ =	swait.ge [sflag:s15], $0x4000  }
0x3d: {  	[sflag:s15] =	ssyncset.done $0x0  }
0x3e: {  	s5 =	sadd.s32 $0x100, s2;
	[sflag:s15] =	ssyncadd.s32 $0xFFFFC000  }
0x3f: {  	[tilespmem:s19], [sflag:$0x1] =	stream.indirect.gather [hbm4b:s0+s18], $0x80, s5, s18, $0xb8;
	[tilespmem:$0x1E800] =	vst v63  }
0x40: {  	_ =	swait.ge [sflag:s22], $0x4000  }
0x41: {  	[sflag:s22] =	ssyncset.done $0x0  }
.Ltmp0:
0x42: {  	s5 =	sadd.s32 $0x1480, s2;
	[sflag:s22] =	ssyncadd.s32 $0xFFFFC000;
	(pc) =	sbr.rel @p0 .LBB2_2-.Ltmp0, $4  }
0x43: {  	[spmem:s3] =	stream.indirect.scatter.add.f32 [tilespmem:s20], [sflag:$0x4], $0x80, s5, s18, $0xb8;
	[tilespmem:$0x1E800] =	vst v63  }
0x44: {  	_ =	swait.ge [sflag:s15], $0x4000  }
0x45: {  	[sflag:s15] =	ssyncset.done $0x0  }
0x46: {  	s2 =	sadd.s32 $0x180, s2;
	[sflag:s15] =	ssyncadd.s32 $0xFFFFC000  }
0x47: {  	[tilespmem:s20], [sflag:$0x2] =	stream.indirect.gather [hbm4b:s0+s18], $0x80, s2, s18, $0xb8;
	[tilespmem:$0x1E800] =	vst v63  }
0x48: {  	_ =	swait.ge [sflag:s21], $0x4000  }
0x49: {  	[sflag:s21] =	ssyncset.done $0x0  }
0x4a: {  	[sflag:s21] =	ssyncadd.s32 $0xFFFFC000  }
0x4b: {  	[spmem:s3] =	stream.indirect.scatter.add.f32 [tilespmem:s19], [sflag:$0x4], $0x80, s23, s18, $0xb8;
	[tilespmem:$0x1E800] =	vst v63  }
0x4c: {  	_ =	swait.ge [sflag:s15], $0x4000  }
0x4d: {  	[sflag:s15] =	ssyncset.done $0x0  }
0x4e: {  	[sflag:s15] =	ssyncadd.s32 $0xFFFFC000  }
0x4f: {  	[tilespmem:s19], [sflag:$0x1] =	stream.indirect.gather [hbm4b:s0+s18], $0x80, s24, s18, $0xb8;
	[tilespmem:$0x1E800] =	vst v63  }
0x50: {  	_ =	swait.ge [sflag:s22], $0x4000  }
0x51: {  	[sflag:s22] =	ssyncset.done $0x0  }
0x52: {  	[sflag:s22] =	ssyncadd.s32 $0xFFFFC000  }
0x53: {  	[spmem:s3] =	stream.indirect.scatter.add.f32 [tilespmem:s20], [sflag:$0x4], $0x80, s25, s18, $0xb8;
	[tilespmem:$0x1E800] =	vst v63  }
0x54: {  	_ =	swait.ge [sflag:s15], $0x4000  }
0x55: {  	[sflag:s15] =	ssyncset.done $0x0  }
0x56: {  	[sflag:s15] =	ssyncadd.s32 $0xFFFFC000  }
0x57: {  	_ =	swait.ge [sflag:s21], $0x4000  }
0x58: {  	[sflag:s21] =	ssyncset.done $0x0  }
0x59: {  	[sflag:s21] =	ssyncadd.s32 $0xFFFFC000  }
0x5a: {  	[spmem:s3] =	stream.indirect.scatter.add.f32 [tilespmem:s19], [sflag:$0x4], $0x80, s26, s18, $0xb8;
	[tilespmem:$0x1E800] =	vst v63  }
0x5b: {  	_ =	swait.ge [sflag:s15], $0x4000  }
0x5c: {  	[sflag:s15] =	ssyncset.done $0x0  }
0x5d: {  	[sflag:s15] =	ssyncadd.s32 $0xFFFFC000  }
0x5e: {  	[tilespmem:s19], [sflag:$0x1] =	stream.indirect.gather [hbm4b:s0+s28], $0x80, s29, s28, $0xb8;
	[tilespmem:$0x1E800] =	vst v63  }
0x5f: {  	_ =	swait.ge [sflag:s21], $0x400  }
0x60: {  	[sflag:s21] =	ssyncset.done $0x0  }
0x61: {  	[sflag:s21] =	ssyncadd.s32 $0xFFFFFC00  }
0x62: {  	[spmem:s3] =	stream.indirect.scatter.add.f32 [tilespmem:s19], [sflag:$0x4], $0x80, s30, s28, $0xb8;
	[tilespmem:$0x1E800] =	vst v63  }
0x63: {  	_ =	swait.ge [sflag:s15], $0x400  }
0x64: {  	[sflag:s15] =	ssyncset.done $0x0  }
0x65: {  	s1 =	simm.s32 $0x0;
	[sflag:s15] =	ssyncadd.s32 $0xFFFFFC00  }
0x66: {  	[tilespmem:s1], [sflag:$0x4] =	stream.linear.gather [hbm4b:s10+s1], $0x1388, $0x38;
	[tilespmem:$0x1E800] =	vst v63  }
0x67: {  	_ =	swait.ge [sflag:s15], $0x1388  }
0x68: {  	[sflag:s15] =	ssyncset.done $0x0  }
0x69: {  	[sflag:s15] =	ssyncadd.s32 $0xFFFFEC78  }
0x6a: {  	[tilespmem:s16], [sflag:$0x4] =	stream.linear.gather [hbm4b:s11+s1], $0x1388, $0x38;
	[tilespmem:$0x1E800] =	vst v63  }
0x6b: {  	_ =	swait.ge [sflag:s15], $0x1388  }
0x6c: {  	[sflag:s15] =	ssyncset.done $0x0  }
0x6d: {  	[sflag:s15] =	ssyncadd.s32 $0xFFFFEC78  }
0x6e: {  	[tilespmem:s19], [sflag:$0x1] =	stream.indirect.gather [hbm4b:s0+s18], $0x80, s1, s18, $0xb8;
	[tilespmem:$0x1E800] =	vst v63  }
0x6f: {  	_ = 	snop  }
0x70: {  	[tilespmem:s20], [sflag:$0x2] =	stream.indirect.gather [hbm4b:s0+s18], $0x80, s18, s18, $0xb8;
	[tilespmem:$0x1E800] =	vst v63  }
0x71: {  	_ =	swait.ge [sflag:s21], $0x4000  }
0x72: {  	[sflag:s21] =	ssyncset.done $0x0  }
0x73: {  	s5 =	simm.s32 $0x1400;
	[sflag:s21] =	ssyncadd.s32 $0xFFFFC000  }
0x74: {  	[spmem:s3] =	stream.indirect.scatter.add.f32 [tilespmem:s19], [sflag:$0x4], $0x80, s5, s18, $0xb8;
	[tilespmem:$0x1E800] =	vst v63  }
0x75: {  	_ =	swait.ge [sflag:s15], $0x4000  }
0x76: {  	[sflag:s15] =	ssyncset.done $0x0  }
0x77: {  	s2 =	simm.s32 $0x100;
	[sflag:s15] =	ssyncadd.s32 $0xFFFFC000  }
0x78: {  	[tilespmem:s19], [sflag:$0x1] =	stream.indirect.gather [hbm4b:s0+s18], $0x80, s2, s18, $0xb8;
	[tilespmem:$0x1E800] =	vst v63  }
0x79: {  	_ =	swait.ge [sflag:s22], $0x4000  }
0x7a: {  	[sflag:s22] =	ssyncset.done $0x0  }
0x7b: {  	s5 =	simm.s32 $0x1480;
	[sflag:s22] =	ssyncadd.s32 $0xFFFFC000  }
0x7c: {  	[spmem:s3] =	stream.indirect.scatter.add.f32 [tilespmem:s20], [sflag:$0x4], $0x80, s5, s18, $0xb8;
	[tilespmem:$0x1E800] =	vst v63  }
0x7d: {  	_ =	swait.ge [sflag:s15], $0x4000  }
0x7e: {  	[sflag:s15] =	ssyncset.done $0x0  }
0x7f: {  	s1 =	simm.s32 $0x400;
	s2 =	simm.s32 $0x180;
	[sflag:s15] =	ssyncadd.s32 $0xFFFFC000  }
.LBB2_4:
0x80: {  	[tilespmem:s20], [sflag:$0x2] =	stream.indirect.gather [hbm4b:s0+s18], $0x80, s2, s18, $0xb8;
	[tilespmem:$0x1E800] =	vst v63  }
0x81: {  	s2 =	smov.u32 s1  }
0x82: {  	p0 =	sne.s32 s1, $0x4400;
	s1 =	sadd.s32 $0x400, s1;
	_ =	swait.ge [sflag:s21], $0x4000  }
0x83: {  	s2 =	sshra.s32 s2, $0x2;
	[sflag:s21] =	ssyncset.done $0x0  }
0x84: {  	s5 =	sadd.s32 $0x1400, s2;
	[sflag:s21] =	ssyncadd.s32 $0xFFFFC000  }
0x85: {  	[spmem:s3] =	stream.indirect.scatter.add.f32 [tilespmem:s19], [sflag:$0x4], $0x80, s5, s18, $0xb8;
	[tilespmem:$0x1E800] =	vst v63  }
0x86: {  	_ =	swait.ge [sflag:s15], $0x4000  }
0x87: {  	[sflag:s15] =	ssyncset.done $0x0  }
0x88: {  	s5 =	sadd.s32 $0x100, s2;
	[sflag:s15] =	ssyncadd.s32 $0xFFFFC000  }
0x89: {  	[tilespmem:s19], [sflag:$0x1] =	stream.indirect.gather [hbm4b:s0+s18], $0x80, s5, s18, $0xb8;
	[tilespmem:$0x1E800] =	vst v63  }
0x8a: {  	_ =	swait.ge [sflag:s22], $0x4000  }
0x8b: {  	[sflag:s22] =	ssyncset.done $0x0  }
.Ltmp1:
0x8c: {  	s5 =	sadd.s32 $0x1480, s2;
	[sflag:s22] =	ssyncadd.s32 $0xFFFFC000;
	(pc) =	sbr.rel @p0 .LBB2_4-.Ltmp1, $4  }
0x8d: {  	[spmem:s3] =	stream.indirect.scatter.add.f32 [tilespmem:s20], [sflag:$0x4], $0x80, s5, s18, $0xb8;
	[tilespmem:$0x1E800] =	vst v63  }
0x8e: {  	_ =	swait.ge [sflag:s15], $0x4000  }
0x8f: {  	[sflag:s15] =	ssyncset.done $0x0  }
0x90: {  	s2 =	sadd.s32 $0x180, s2;
	[sflag:s15] =	ssyncadd.s32 $0xFFFFC000  }
0x91: {  	[tilespmem:s20], [sflag:$0x2] =	stream.indirect.gather [hbm4b:s0+s18], $0x80, s2, s18, $0xb8;
	[tilespmem:$0x1E800] =	vst v63  }
0x92: {  	_ =	swait.ge [sflag:s21], $0x4000  }
0x93: {  	[sflag:s21] =	ssyncset.done $0x0  }
0x94: {  	[sflag:s21] =	ssyncadd.s32 $0xFFFFC000  }
0x95: {  	[spmem:s3] =	stream.indirect.scatter.add.f32 [tilespmem:s19], [sflag:$0x4], $0x80, s23, s18, $0xb8;
	[tilespmem:$0x1E800] =	vst v63  }
0x96: {  	_ =	swait.ge [sflag:s15], $0x4000  }
0x97: {  	[sflag:s15] =	ssyncset.done $0x0  }
0x98: {  	[sflag:s15] =	ssyncadd.s32 $0xFFFFC000  }
0x99: {  	[tilespmem:s19], [sflag:$0x1] =	stream.indirect.gather [hbm4b:s0+s18], $0x80, s24, s18, $0xb8;
	[tilespmem:$0x1E800] =	vst v63  }
0x9a: {  	_ =	swait.ge [sflag:s22], $0x4000  }
0x9b: {  	[sflag:s22] =	ssyncset.done $0x0  }
0x9c: {  	[sflag:s22] =	ssyncadd.s32 $0xFFFFC000  }
0x9d: {  	[spmem:s3] =	stream.indirect.scatter.add.f32 [tilespmem:s20], [sflag:$0x4], $0x80, s25, s18, $0xb8;
	[tilespmem:$0x1E800] =	vst v63  }
0x9e: {  	_ =	swait.ge [sflag:s15], $0x4000  }
0x9f: {  	[sflag:s15] =	ssyncset.done $0x0  }
0xa0: {  	[sflag:s15] =	ssyncadd.s32 $0xFFFFC000  }
0xa1: {  	_ =	swait.ge [sflag:s21], $0x4000  }
0xa2: {  	[sflag:s21] =	ssyncset.done $0x0  }
0xa3: {  	[sflag:s21] =	ssyncadd.s32 $0xFFFFC000  }
0xa4: {  	[spmem:s3] =	stream.indirect.scatter.add.f32 [tilespmem:s19], [sflag:$0x4], $0x80, s26, s18, $0xb8;
	[tilespmem:$0x1E800] =	vst v63  }
0xa5: {  	_ =	swait.ge [sflag:s15], $0x4000  }
0xa6: {  	[sflag:s15] =	ssyncset.done $0x0  }
0xa7: {  	[sflag:s15] =	ssyncadd.s32 $0xFFFFC000  }
0xa8: {  	[tilespmem:s19], [sflag:$0x1] =	stream.indirect.gather [hbm4b:s0+s28], $0x80, s29, s28, $0xb8;
	[tilespmem:$0x1E800] =	vst v63  }
0xa9: {  	_ =	swait.ge [sflag:s21], $0x400  }
0xaa: {  	[sflag:s21] =	ssyncset.done $0x0  }
0xab: {  	[sflag:s21] =	ssyncadd.s32 $0xFFFFFC00  }
0xac: {  	[spmem:s3] =	stream.indirect.scatter.add.f32 [tilespmem:s19], [sflag:$0x4], $0x80, s30, s28, $0xb8;
	[tilespmem:$0x1E800] =	vst v63  }
0xad: {  	_ =	swait.ge [sflag:s15], $0x400  }
0xae: {  	s31 =	sadd.s32 $0x1, s31;
	[sflag:s15] =	ssyncset.done $0x0  }
0xaf: {  	p0 =	sne.s32 s31, s13;
	[sflag:s15] =	ssyncadd.s32 $0xFFFFFC00  }
.Ltmp2:
0xb0: {  	s1 =	sor.u32 $0x1C04, s6;
	[bflag:$0x0] =	sbarrier.arrive $0xFFFF;
	(pc) =	sbr.rel @p0 .LBB2_1-.Ltmp2, $4  }
0xb1: {  	[hbm:s12], [sflag:s1] =	dma.local [spmem:s14], $0x2800  }
0xb2: {  	_ =	swait.ge [sflag:s15], $0x2800  }
0xb3: {  	[sflag:s15] =	ssyncset.done $0x0  }
0xb4: {  	[sflag:s15] =	ssyncadd.s32 $0xFFFFD800  }
0xb5: {  	_ =	sfence.sel $0x180000  }
0xb6: {  	[bflag:$0x0] =	sbarrier.arrive $0xFFFF  }
0xb7: {  	_ =	strace $0x90000047  }
0xb8: {  	s0 =	stileid.u32;
	[bflag:$0x2] =	sbarrier.arrive $0xFFFF  }
0xb9: {  	p0 =	sne.s32 s0, $0x0;
	s0 =	rddreg [dreg:$0x4]  }
0xba: {  	s0 =	sadd.s32 @!p0 $0x100000, s0  }
0xbb: {  	[sflag:s0] =	ssyncadd.tile.s32 @!p0 $0x1;
	_ =	shalt  }
.Lfunc_end2:
_tile_overlayer_lowered:
.L_overlay_start_2:
0xbc: {  	(tag) =	ssettag $0x2  }
0xbd: {  	s0 =	rddreg [dreg:$0x0];
	s2 =	stileid.u32  }
0xbe: {  	s1 =	rddreg [dreg:$0x1];
	p0 =	sne.s32 s2, $0x0  }
0xbf: {  	s3 =	rddreg [dreg:$0x2];
	[bflag:$0x3] =	sbarrier.arrive $0xFFFF;
	s2 =	simm.s32 @!p0 $0x1C04  }
0xc0: {  	[timem:s3], [sflag:s2] =	dma.local @!p0 [hbm:s0], s1  }
0xc1: {  	s0 =	simm.s32 @!p0 $0x4  }
0xc2: {  	_ =	swait.ge @!p0 [sflag:s0], s1  }
0xc3: {  	s1 =	ssub.s32 @!p0 $0x0, s1;
	[sflag:s0] =	ssyncset.done @!p0 $0x0  }
0xc4: {  	[sflag:s0] =	ssyncadd.s32 @!p0 s1  }
0xc5: {  	[bflag:$0x3] =	sbarrier.arrive $0xFFFF  }
0xc6: {  	_ =	shalt  }

</sc_bundles>
